<compile_context>
chip_gen: v7x
topology: tpu7x:2x2x1
jax: 0.10.2.dev20260603
libtpu: 0.0.44.dev20260713+nightly
codegen_flags: <defaults>
</compile_context>

<pallas_src>
import functools

import jax
import jax.numpy as jnp
from jax import lax
from jax.experimental import pallas as pl
from jax.experimental.pallas import tpu as pltpu
from jax.experimental.pallas import tpu_sc as plsc

N_NODES = 10000
D_FEAT = 128
UNITS = 128
N_EDGES = 320000

NC, NS, L = 2, 16, 16
NW = NC * NS
E_W = N_EDGES // NW
K = 80
NCHUNK = E_W // K
ROWS_W = 624
TAIL_ROWS = N_NODES - NS * ROWS_W

_MESH = plsc.VectorSubcoreMesh(core_axis_name="c", subcore_axis_name="s")
_SC_PARAMS = pltpu.CompilerParams(needs_layout_passes=False)


@functools.partial(
    pl.kernel,
    out_type=[
        jax.ShapeDtypeStruct((NW, N_NODES), jnp.float32),
        jax.ShapeDtypeStruct((NW, N_NODES), jnp.float32),
        jax.ShapeDtypeStruct((NW, NCHUNK, K), jnp.int32),
    ],
    mesh=_MESH,
    compiler_params=_SC_PARAMS,
    scratch_types=[
        pltpu.VMEM((E_W,), jnp.int32),
        pltpu.VMEM((E_W,), jnp.int32),
        pltpu.VMEM((NCHUNK, K), jnp.int32),
        pltpu.VMEM((N_NODES,), jnp.float32),
        pltpu.VMEM((N_NODES,), jnp.float32),
    ],
)
def _degrees(src_hbm, dst_hbm, odeg_hbm, ideg_hbm, dstc_hbm,
             src_v, dst_v, dstc_v, oh_v, ih_v):
    c = lax.axis_index("c")
    s = lax.axis_index("s")
    wid = c * NS + s
    pltpu.sync_copy(src_hbm.at[wid], src_v)
    pltpu.sync_copy(dst_hbm.at[wid], dst_v)

    zero = jnp.zeros((L,), jnp.float32)

    def zbody(i, carry):
        off = pl.multiple_of(i * L, L)
        oh_v[pl.ds(off, L)] = zero
        ih_v[pl.ds(off, L)] = zero
        return carry

    lax.fori_loop(0, N_NODES // L, zbody, 0)

    ones = jnp.ones((L,), jnp.float32)
    GP = K // L

    def body(i, carry):
        off = pl.multiple_of(i * L, L)
        si = src_v[pl.ds(off, L)]
        di = dst_v[pl.ds(off, L)]
        plsc.addupdate_scatter(oh_v, [si], ones)
        plsc.addupdate_scatter(ih_v, [di], ones)
        dstc_v[i // GP, pl.ds((i % GP) * L, L)] = di
        return carry

    lax.fori_loop(0, E_W // L, body, 0)

    pltpu.sync_copy(oh_v, odeg_hbm.at[wid])
    pltpu.sync_copy(ih_v, ideg_hbm.at[wid])
    pltpu.sync_copy(dstc_v, dstc_hbm.at[wid])


@functools.partial(
    pl.kernel,
    out_type=jax.ShapeDtypeStruct((NC, N_NODES, UNITS), jnp.float32),
    mesh=_MESH,
    compiler_params=_SC_PARAMS,
    scratch_types=[
        pltpu.VMEM((E_W,), jnp.int32),
        [pltpu.VMEM((K,), jnp.int32)] * 2,
        [pltpu.VMEM((K, UNITS), jnp.float32)] * 2,
        pltpu.VMEM_SHARED((N_NODES, UNITS), jnp.float32),
        [pltpu.SemaphoreType.DMA] * 2,
        [pltpu.SemaphoreType.DMA] * 2,
        pltpu.SemaphoreType.DMA,
    ],
)
def _segsum(y_hbm, src_hbm, dst_hbm, out_hbm,
            sidx_v, didx, rows, acc, gsem, dsem, psem):
    c = lax.axis_index("c")
    s = lax.axis_index("s")
    wid = c * NS + s
    pltpu.async_copy(src_hbm.at[wid], sidx_v, psem)

    zero = jnp.zeros((L,), jnp.float32)

    def _zrow(i, carry):
        for j in range(UNITS // L):
            rows[0][i, pl.ds(j * L, L)] = zero
        return carry

    lax.fori_loop(0, K, _zrow, 0)
    r0 = s * ROWS_W
    for t in range(ROWS_W // K):
        pltpu.sync_copy(rows[0], acc.at[pl.ds(r0 + t * K, K)])
    rem = ROWS_W % K
    pltpu.sync_copy(
        rows[0].at[pl.ds(0, rem)],
        acc.at[pl.ds(r0 + (ROWS_W // K) * K, rem)],
    )

    @pl.when(s == NS - 1)
    def _zero_tail():
        pltpu.sync_copy(
            rows[0].at[pl.ds(0, TAIL_ROWS)],
            acc.at[pl.ds(NS * ROWS_W, TAIL_ROWS)],
        )

    plsc.subcore_barrier()
    pltpu.make_async_copy(src_hbm.at[0], sidx_v, psem).wait()

    NSTREAM = 5
    Q = K // NSTREAM

    def start_gather(i, p):
        for q in range(NSTREAM):
            pltpu.async_copy(
                y_hbm.at[sidx_v.at[pl.ds(i * K + q * Q, Q)]],
                rows[p].at[pl.ds(q * Q, Q)],
                gsem[p],
            )

    def wait_gather(p):
        for q in range(NSTREAM):
            pltpu.make_async_copy(
                y_hbm.at[pl.ds(0, Q)], rows[p].at[pl.ds(q * Q, Q)], gsem[p]
            ).wait()

    def start_didx(i, p):
        pltpu.async_copy(dst_hbm.at[wid, i], didx[p], dsem[p])

    def wait_didx(p):
        pltpu.make_async_copy(dst_hbm.at[0, 0], didx[p], dsem[p]).wait()

    start_didx(0, 0)
    start_gather(0, 0)

    def body(j, carry):
        i = j * 2
        start_gather(i + 1, 1)
        start_didx(i + 1, 1)
        wait_didx(0)
        wait_gather(0)
        pltpu.sync_copy(rows[0], acc.at[didx[0]], add=True)
        start_gather(i + 2, 0)
        start_didx(i + 2, 0)
        wait_didx(1)
        wait_gather(1)
        pltpu.sync_copy(rows[1], acc.at[didx[1]], add=True)
        return carry

    lax.fori_loop(0, NCHUNK // 2, body, 0)
    wait_didx(0)
    wait_gather(0)
    pltpu.sync_copy(rows[0], acc.at[didx[0]], add=True)
    plsc.subcore_barrier()

    pltpu.sync_copy(acc.at[pl.ds(r0, ROWS_W)], out_hbm.at[c, pl.ds(r0, ROWS_W)])

    @pl.when(s == NS - 1)
    def _write_tail():
        pltpu.sync_copy(
            acc.at[pl.ds(NS * ROWS_W, TAIL_ROWS)],
            out_hbm.at[c, pl.ds(NS * ROWS_W, TAIL_ROWS)],
        )


_BLK = 2000
_GRID = N_NODES // _BLK


def _mm_body(od_ref, x_ref, w_ref, y_ref):
    deg = jnp.sum(od_ref[...], axis=0)
    sc = lax.rsqrt(jnp.maximum(deg, 1.0))
    y_ref[...] = jnp.dot(
        x_ref[...] * sc[:, None], w_ref[...], preferred_element_type=jnp.float32
    )


def _fin_body(p_ref, id_ref, o_ref):
    deg = jnp.sum(id_ref[...], axis=1)
    sn = lax.rsqrt(jnp.maximum(deg, 1.0))
    o_ref[...] = jnp.maximum((p_ref[0] + p_ref[1]) * sn[:, None], 0.0)


def kernel(x, edge_index, W):
    src_w = edge_index[:, 0].astype(jnp.int32).reshape(NW, E_W)
    dst_w = edge_index[:, 1].astype(jnp.int32).reshape(NW, E_W)

    odeg_p, ideg_p, dst_c = _degrees(src_w, dst_w)

    y = pl.pallas_call(
        _mm_body,
        out_shape=jax.ShapeDtypeStruct((N_NODES, UNITS), jnp.float32),
    )(odeg_p, x, W)

    partials = _segsum(y, src_w, dst_c)

    out = pl.pallas_call(
        _fin_body,
        grid=(_GRID,),
        in_specs=[
            pl.BlockSpec((NC, _BLK, UNITS), lambda i: (0, i, 0)),
            pl.BlockSpec((_BLK, NW), lambda i: (i, 0)),
        ],
        out_specs=pl.BlockSpec((_BLK, UNITS), lambda i: (i, 0)),
        out_shape=jax.ShapeDtypeStruct((N_NODES, UNITS), jnp.float32),
    )(partials, ideg_p.T)
    return out

# --- scband reference (transcript-rebuilt; emitter-appended) ---
"""Pipeline reference for scband-gcn-21071109554677 (READ-ONLY COPY).

The authoritative reference and input builder live on the scoring server;
editing this copy changes nothing except your own understanding.
"""

import jax, jax.numpy as jnp
import numpy as np

N_NODES = 10000
N_EDGES = 320000
D_FEAT = 128
UNITS = 128


def setup_inputs(seed: int = 0) -> dict:
    key = jax.random.key(seed)
    k1, k2, k3 = jax.random.split(key, 3)
    x = jax.random.normal(k1, (N_NODES, D_FEAT), dtype=jnp.float32)
    edge_index = jax.random.randint(k2, (N_EDGES, 2), 0, N_NODES, dtype=jnp.int64)
    # Dense(units, use_bias=False) weight, glorot-uniform-ish init
    limit = float(np.sqrt(6.0 / (D_FEAT + UNITS)))
    W = jax.random.uniform(k3, (D_FEAT, UNITS), dtype=jnp.float32, minval=-limit, maxval=limit)
    return {"x": x, "edge_index": edge_index, "W": W}


def reference(x, edge_index, W):
    n_nodes = x.shape[0]
    src = edge_index[:, 0]
    dst = edge_index[:, 1]
    ones = jnp.ones((edge_index.shape[0],), dtype=jnp.float32)
    # out-degrees (by sender / column 0), expanded onto edges
    out_deg = jnp.zeros((n_nodes,), dtype=jnp.float32).at[src].add(ones)
    deg_e = jnp.maximum(1.0, out_deg[src])
    norm_e = deg_e ** (-0.5)
    # gather sender features, scale by sender-degree norm
    sender = jnp.take(x, src, axis=0)
    h = sender * norm_e[:, None]
    # scatter-add into receivers (unsorted_segment_sum over edge_index[:, 1])
    h = jax.ops.segment_sum(h, dst, num_segments=n_nodes)
    # linear: X @ W (Dense, no bias)
    h = h @ W
    # in-degrees (by receiver / column 1), per-node
    in_deg = jnp.zeros((n_nodes,), dtype=jnp.float32).at[dst].add(ones)
    deg_n = jnp.maximum(1.0, in_deg)
    norm_n = deg_n ** (-0.5)
    h = h * norm_n[:, None]
    # activation: relu
    return jax.nn.relu(h)

if __name__ == "__main__":
    import jax
    _d = setup_inputs()
    print(jax.jit(kernel)(*tuple(_d.values())))

</pallas_src>

<mosaic_0001>
#map = affine_map<(d0, d1) -> (0, 0)>
#map1 = affine_map<(d0, d1) -> (0, 0, 0)>
module attributes {stable_mosaic.version = 14 : i64} {
  func.func @_segsum(%arg0: i32, %arg1: i32, %arg2: memref<10000x128xf32, #tpu.memory_space<hbm>>, %arg3: memref<32x10000xi32, #tpu.memory_space<hbm>>, %arg4: memref<32x125x80xi32, #tpu.memory_space<hbm>>, %arg5: memref<2x10000x128xf32, #tpu.memory_space<hbm>>, %arg6: memref<10000xi32, #tpu.memory_space<vmem>>, %arg7: memref<80xi32, #tpu.memory_space<vmem>>, %arg8: memref<80xi32, #tpu.memory_space<vmem>>, %arg9: memref<80x128xf32, #tpu.memory_space<vmem>>, %arg10: memref<80x128xf32, #tpu.memory_space<vmem>>, %arg11: memref<10000x128xf32, #tpu.memory_space<vmem_shared>>, %arg12: memref<!tpu.dma_semaphore, #tpu.memory_space<semaphore_mem>>, %arg13: memref<!tpu.dma_semaphore, #tpu.memory_space<semaphore_mem>>, %arg14: memref<!tpu.dma_semaphore, #tpu.memory_space<semaphore_mem>>, %arg15: memref<!tpu.dma_semaphore, #tpu.memory_space<semaphore_mem>>, %arg16: memref<!tpu.dma_semaphore, #tpu.memory_space<semaphore_mem>>) attributes {dimension_semantics = [#tpu.dimension_semantics<core_parallel>, #tpu.dimension_semantics<subcore_parallel>], iteration_bounds = array<i64: 2, 16>, scalar_prefetch = 0 : i64, scratch_operands = 11 : i64, tpu.core_type = #tpu.core_type<sc_vector_subcore>, window_params = [{transform_indices = #map}, {transform_indices = #map}, {transform_indices = #map1}, {transform_indices = #map1}]} {
    %mul3A = arith.constant 16 : i32
    %mul3A_0 = arith.muli %arg0, %mul3A : i32
    %add3A = arith.addi %mul3A_0, %arg1 : i32
    %dma_start3A = arith.constant 0 : i32
    %dma_start3A_1 = tpu.memref_slice %arg3[%add3A, %dma_start3A] : memref<32x10000xi32, #tpu.memory_space<hbm>> -> memref<1x10000xi32, #tpu.memory_space<hbm>>
    %dma_start3A_2 = tpu.memref_squeeze %dma_start3A_1 : memref<1x10000xi32, #tpu.memory_space<hbm>> -> memref<10000xi32, #tpu.memory_space<hbm>>
    %dma_start3A_3 = arith.constant 0 : i32
    %dma_start3A_4 = tpu.memref_slice %arg3[%add3A, %dma_start3A_3] : memref<32x10000xi32, #tpu.memory_space<hbm>> -> memref<1x10000xi32, #tpu.memory_space<hbm>>
    %dma_start3A_5 = tpu.memref_squeeze %dma_start3A_4 : memref<1x10000xi32, #tpu.memory_space<hbm>> -> memref<10000xi32, #tpu.memory_space<hbm>>
    tpu.enqueue_dma source(%dma_start3A_5 : memref<10000xi32, #tpu.memory_space<hbm>>) target(%arg6 : memref<10000xi32, #tpu.memory_space<vmem>>) target_semaphore(%arg16 : memref<!tpu.dma_semaphore, #tpu.memory_space<semaphore_mem>>)
    %broadcast_in_dim3A = arith.constant 0.000000e+00 : f32
    %broadcast_in_dim3A_6 = vector.broadcast %broadcast_in_dim3A : f32 to vector<16xf32>
    %scan3A = arith.constant 0 : i32
    %scan3A_7 = arith.constant 0 : i32
    %scan3A_8 = arith.constant 80 : i32
    %scan3A_9 = arith.addi %scan3A_7, %scan3A_8 : i32
    %scan3A_10 = arith.constant 1 : i32
    scf.for %scan3A_165 = %scan3A_7 to %scan3A_9 step %scan3A_10  : i32 {
      %swap3A = arith.index_cast %scan3A_165 : i32 to index
      %swap3A_166 = arith.constant 0 : index
      %swap3A_167 = tpu.vector_load %arg9[%swap3A, %swap3A_166] {strides = array<i32>} : memref<80x128xf32, #tpu.memory_space<vmem>>, vector<16xf32>,
      tpu.vector_store %arg9[%swap3A, %swap3A_166], %broadcast_in_dim3A_6 {strides = array<i32>} : memref<80x128xf32, #tpu.memory_space<vmem>>, vector<16xf32>,
      %swap3A_168 = arith.index_cast %scan3A_165 : i32 to index
      %swap3A_169 = arith.constant 16 : index
      %swap3A_170 = tpu.vector_load %arg9[%swap3A_168, %swap3A_169] {strides = array<i32>} : memref<80x128xf32, #tpu.memory_space<vmem>>, vector<16xf32>,
      tpu.vector_store %arg9[%swap3A_168, %swap3A_169], %broadcast_in_dim3A_6 {strides = array<i32>} : memref<80x128xf32, #tpu.memory_space<vmem>>, vector<16xf32>,
      %swap3A_171 = arith.index_cast %scan3A_165 : i32 to index
      %swap3A_172 = arith.constant 32 : index
      %swap3A_173 = tpu.vector_load %arg9[%swap3A_171, %swap3A_172] {strides = array<i32>} : memref<80x128xf32, #tpu.memory_space<vmem>>, vector<16xf32>,
      tpu.vector_store %arg9[%swap3A_171, %swap3A_172], %broadcast_in_dim3A_6 {strides = array<i32>} : memref<80x128xf32, #tpu.memory_space<vmem>>, vector<16xf32>,
      %swap3A_174 = arith.index_cast %scan3A_165 : i32 to index
      %swap3A_175 = arith.constant 48 : index
      %swap3A_176 = tpu.vector_load %arg9[%swap3A_174, %swap3A_175] {strides = array<i32>} : memref<80x128xf32, #tpu.memory_space<vmem>>, vector<16xf32>,
      tpu.vector_store %arg9[%swap3A_174, %swap3A_175], %broadcast_in_dim3A_6 {strides = array<i32>} : memref<80x128xf32, #tpu.memory_space<vmem>>, vector<16xf32>,
      %swap3A_177 = arith.index_cast %scan3A_165 : i32 to index
      %swap3A_178 = arith.constant 64 : index
      %swap3A_179 = tpu.vector_load %arg9[%swap3A_177, %swap3A_178] {strides = array<i32>} : memref<80x128xf32, #tpu.memory_space<vmem>>, vector<16xf32>,
      tpu.vector_store %arg9[%swap3A_177, %swap3A_178], %broadcast_in_dim3A_6 {strides = array<i32>} : memref<80x128xf32, #tpu.memory_space<vmem>>, vector<16xf32>,
      %swap3A_180 = arith.index_cast %scan3A_165 : i32 to index
      %swap3A_181 = arith.constant 80 : index
      %swap3A_182 = tpu.vector_load %arg9[%swap3A_180, %swap3A_181] {strides = array<i32>} : memref<80x128xf32, #tpu.memory_space<vmem>>, vector<16xf32>,
      tpu.vector_store %arg9[%swap3A_180, %swap3A_181], %broadcast_in_dim3A_6 {strides = array<i32>} : memref<80x128xf32, #tpu.memory_space<vmem>>, vector<16xf32>,
      %swap3A_183 = arith.index_cast %scan3A_165 : i32 to index
      %swap3A_184 = arith.constant 96 : index
      %swap3A_185 = tpu.vector_load %arg9[%swap3A_183, %swap3A_184] {strides = array<i32>} : memref<80x128xf32, #tpu.memory_space<vmem>>, vector<16xf32>,
      tpu.vector_store %arg9[%swap3A_183, %swap3A_184], %broadcast_in_dim3A_6 {strides = array<i32>} : memref<80x128xf32, #tpu.memory_space<vmem>>, vector<16xf32>,
      %swap3A_186 = arith.index_cast %scan3A_165 : i32 to index
      %swap3A_187 = arith.constant 112 : index
      %swap3A_188 = tpu.vector_load %arg9[%swap3A_186, %swap3A_187] {strides = array<i32>} : memref<80x128xf32, #tpu.memory_space<vmem>>, vector<16xf32>,
      tpu.vector_store %arg9[%swap3A_186, %swap3A_187], %broadcast_in_dim3A_6 {strides = array<i32>} : memref<80x128xf32, #tpu.memory_space<vmem>>, vector<16xf32>,
    }
    %scan3A_11 = arith.constant 80 : i32
    %mul3A_12 = arith.constant 624 : i32
    %mul3A_13 = arith.muli %arg1, %mul3A_12 : i32
    %add3A_14 = arith.constant 0 : i32
    %add3A_15 = arith.addi %mul3A_13, %add3A_14 : i32
    "tpu.region"() ({
      %run_scoped3A = tpu.sem_alloc : memref<!tpu.dma_semaphore, #tpu.memory_space<semaphore_mem>>
      %dma_start3A_165 = arith.constant 0 : i32
      %dma_start3A_166 = tpu.memref_slice %arg11[%add3A_15, %dma_start3A_165] : memref<10000x128xf32, #tpu.memory_space<vmem_shared>> -> memref<80x128xf32, #tpu.memory_space<vmem_shared>>
      %dma_start3A_167 = arith.constant 0 : i32
      %dma_start3A_168 = tpu.memref_slice %arg11[%add3A_15, %dma_start3A_167] : memref<10000x128xf32, #tpu.memory_space<vmem_shared>> -> memref<80x128xf32, #tpu.memory_space<vmem_shared>>
      tpu.enqueue_dma source(%arg9 : memref<80x128xf32, #tpu.memory_space<vmem>>) target(%dma_start3A_168 : memref<80x128xf32, #tpu.memory_space<vmem_shared>>) target_semaphore(%run_scoped3A : memref<!tpu.dma_semaphore, #tpu.memory_space<semaphore_mem>>)
      %dma_wait3A_169 = arith.constant 0 : i32
      %dma_wait3A_170 = tpu.memref_slice %arg11[%add3A_15, %dma_wait3A_169] : memref<10000x128xf32, #tpu.memory_space<vmem_shared>> -> memref<80x128xf32, #tpu.memory_space<vmem_shared>>
      %dma_wait3A_171 = arith.constant 0 : i32
      %dma_wait3A_172 = tpu.memref_slice %arg11[%add3A_15, %dma_wait3A_171] : memref<10000x128xf32, #tpu.memory_space<vmem_shared>> -> memref<80x128xf32, #tpu.memory_space<vmem_shared>>
      tpu.wait_dma2 semaphore(%run_scoped3A : memref<!tpu.dma_semaphore, #tpu.memory_space<semaphore_mem>>) src(%arg9 : memref<80x128xf32, #tpu.memory_space<vmem>>) dst(%dma_wait3A_172 : memref<80x128xf32, #tpu.memory_space<vmem_shared>>)
      tpu.yield
    }) : () -> ()
    %add3A_16 = arith.constant 80 : i32
    %add3A_17 = arith.addi %mul3A_13, %add3A_16 : i32
    "tpu.region"() ({
      %run_scoped3A = tpu.sem_alloc : memref<!tpu.dma_semaphore, #tpu.memory_space<semaphore_mem>>
      %dma_start3A_165 = arith.constant 0 : i32
      %dma_start3A_166 = tpu.memref_slice %arg11[%add3A_17, %dma_start3A_165] : memref<10000x128xf32, #tpu.memory_space<vmem_shared>> -> memref<80x128xf32, #tpu.memory_space<vmem_shared>>
      %dma_start3A_167 = arith.constant 0 : i32
      %dma_start3A_168 = tpu.memref_slice %arg11[%add3A_17, %dma_start3A_167] : memref<10000x128xf32, #tpu.memory_space<vmem_shared>> -> memref<80x128xf32, #tpu.memory_space<vmem_shared>>
      tpu.enqueue_dma source(%arg9 : memref<80x128xf32, #tpu.memory_space<vmem>>) target(%dma_start3A_168 : memref<80x128xf32, #tpu.memory_space<vmem_shared>>) target_semaphore(%run_scoped3A : memref<!tpu.dma_semaphore, #tpu.memory_space<semaphore_mem>>)
      %dma_wait3A_169 = arith.constant 0 : i32
      %dma_wait3A_170 = tpu.memref_slice %arg11[%add3A_17, %dma_wait3A_169] : memref<10000x128xf32, #tpu.memory_space<vmem_shared>> -> memref<80x128xf32, #tpu.memory_space<vmem_shared>>
      %dma_wait3A_171 = arith.constant 0 : i32
      %dma_wait3A_172 = tpu.memref_slice %arg11[%add3A_17, %dma_wait3A_171] : memref<10000x128xf32, #tpu.memory_space<vmem_shared>> -> memref<80x128xf32, #tpu.memory_space<vmem_shared>>
      tpu.wait_dma2 semaphore(%run_scoped3A : memref<!tpu.dma_semaphore, #tpu.memory_space<semaphore_mem>>) src(%arg9 : memref<80x128xf32, #tpu.memory_space<vmem>>) dst(%dma_wait3A_172 : memref<80x128xf32, #tpu.memory_space<vmem_shared>>)
      tpu.yield
    }) : () -> ()
    %add3A_18 = arith.constant 160 : i32
    %add3A_19 = arith.addi %mul3A_13, %add3A_18 : i32
    "tpu.region"() ({
      %run_scoped3A = tpu.sem_alloc : memref<!tpu.dma_semaphore, #tpu.memory_space<semaphore_mem>>
      %dma_start3A_165 = arith.constant 0 : i32
      %dma_start3A_166 = tpu.memref_slice %arg11[%add3A_19, %dma_start3A_165] : memref<10000x128xf32, #tpu.memory_space<vmem_shared>> -> memref<80x128xf32, #tpu.memory_space<vmem_shared>>
      %dma_start3A_167 = arith.constant 0 : i32
      %dma_start3A_168 = tpu.memref_slice %arg11[%add3A_19, %dma_start3A_167] : memref<10000x128xf32, #tpu.memory_space<vmem_shared>> -> memref<80x128xf32, #tpu.memory_space<vmem_shared>>
      tpu.enqueue_dma source(%arg9 : memref<80x128xf32, #tpu.memory_space<vmem>>) target(%dma_start3A_168 : memref<80x128xf32, #tpu.memory_space<vmem_shared>>) target_semaphore(%run_scoped3A : memref<!tpu.dma_semaphore, #tpu.memory_space<semaphore_mem>>)
      %dma_wait3A_169 = arith.constant 0 : i32
      %dma_wait3A_170 = tpu.memref_slice %arg11[%add3A_19, %dma_wait3A_169] : memref<10000x128xf32, #tpu.memory_space<vmem_shared>> -> memref<80x128xf32, #tpu.memory_space<vmem_shared>>
      %dma_wait3A_171 = arith.constant 0 : i32
      %dma_wait3A_172 = tpu.memref_slice %arg11[%add3A_19, %dma_wait3A_171] : memref<10000x128xf32, #tpu.memory_space<vmem_shared>> -> memref<80x128xf32, #tpu.memory_space<vmem_shared>>
      tpu.wait_dma2 semaphore(%run_scoped3A : memref<!tpu.dma_semaphore, #tpu.memory_space<semaphore_mem>>) src(%arg9 : memref<80x128xf32, #tpu.memory_space<vmem>>) dst(%dma_wait3A_172 : memref<80x128xf32, #tpu.memory_space<vmem_shared>>)
      tpu.yield
    }) : () -> ()
    %add3A_20 = arith.constant 240 : i32
    %add3A_21 = arith.addi %mul3A_13, %add3A_20 : i32
    "tpu.region"() ({
      %run_scoped3A = tpu.sem_alloc : memref<!tpu.dma_semaphore, #tpu.memory_space<semaphore_mem>>
      %dma_start3A_165 = arith.constant 0 : i32
      %dma_start3A_166 = tpu.memref_slice %arg11[%add3A_21, %dma_start3A_165] : memref<10000x128xf32, #tpu.memory_space<vmem_shared>> -> memref<80x128xf32, #tpu.memory_space<vmem_shared>>
      %dma_start3A_167 = arith.constant 0 : i32
      %dma_start3A_168 = tpu.memref_slice %arg11[%add3A_21, %dma_start3A_167] : memref<10000x128xf32, #tpu.memory_space<vmem_shared>> -> memref<80x128xf32, #tpu.memory_space<vmem_shared>>
      tpu.enqueue_dma source(%arg9 : memref<80x128xf32, #tpu.memory_space<vmem>>) target(%dma_start3A_168 : memref<80x128xf32, #tpu.memory_space<vmem_shared>>) target_semaphore(%run_scoped3A : memref<!tpu.dma_semaphore, #tpu.memory_space<semaphore_mem>>)
      %dma_wait3A_169 = arith.constant 0 : i32
      %dma_wait3A_170 = tpu.memref_slice %arg11[%add3A_21, %dma_wait3A_169] : memref<10000x128xf32, #tpu.memory_space<vmem_shared>> -> memref<80x128xf32, #tpu.memory_space<vmem_shared>>
      %dma_wait3A_171 = arith.constant 0 : i32
      %dma_wait3A_172 = tpu.memref_slice %arg11[%add3A_21, %dma_wait3A_171] : memref<10000x128xf32, #tpu.memory_space<vmem_shared>> -> memref<80x128xf32, #tpu.memory_space<vmem_shared>>
      tpu.wait_dma2 semaphore(%run_scoped3A : memref<!tpu.dma_semaphore, #tpu.memory_space<semaphore_mem>>) src(%arg9 : memref<80x128xf32, #tpu.memory_space<vmem>>) dst(%dma_wait3A_172 : memref<80x128xf32, #tpu.memory_space<vmem_shared>>)
      tpu.yield
    }) : () -> ()
    %add3A_22 = arith.constant 320 : i32
    %add3A_23 = arith.addi %mul3A_13, %add3A_22 : i32
    "tpu.region"() ({
      %run_scoped3A = tpu.sem_alloc : memref<!tpu.dma_semaphore, #tpu.memory_space<semaphore_mem>>
      %dma_start3A_165 = arith.constant 0 : i32
      %dma_start3A_166 = tpu.memref_slice %arg11[%add3A_23, %dma_start3A_165] : memref<10000x128xf32, #tpu.memory_space<vmem_shared>> -> memref<80x128xf32, #tpu.memory_space<vmem_shared>>
      %dma_start3A_167 = arith.constant 0 : i32
      %dma_start3A_168 = tpu.memref_slice %arg11[%add3A_23, %dma_start3A_167] : memref<10000x128xf32, #tpu.memory_space<vmem_shared>> -> memref<80x128xf32, #tpu.memory_space<vmem_shared>>
      tpu.enqueue_dma source(%arg9 : memref<80x128xf32, #tpu.memory_space<vmem>>) target(%dma_start3A_168 : memref<80x128xf32, #tpu.memory_space<vmem_shared>>) target_semaphore(%run_scoped3A : memref<!tpu.dma_semaphore, #tpu.memory_space<semaphore_mem>>)
      %dma_wait3A_169 = arith.constant 0 : i32
      %dma_wait3A_170 = tpu.memref_slice %arg11[%add3A_23, %dma_wait3A_169] : memref<10000x128xf32, #tpu.memory_space<vmem_shared>> -> memref<80x128xf32, #tpu.memory_space<vmem_shared>>
      %dma_wait3A_171 = arith.constant 0 : i32
      %dma_wait3A_172 = tpu.memref_slice %arg11[%add3A_23, %dma_wait3A_171] : memref<10000x128xf32, #tpu.memory_space<vmem_shared>> -> memref<80x128xf32, #tpu.memory_space<vmem_shared>>
      tpu.wait_dma2 semaphore(%run_scoped3A : memref<!tpu.dma_semaphore, #tpu.memory_space<semaphore_mem>>) src(%arg9 : memref<80x128xf32, #tpu.memory_space<vmem>>) dst(%dma_wait3A_172 : memref<80x128xf32, #tpu.memory_space<vmem_shared>>)
      tpu.yield
    }) : () -> ()
    %add3A_24 = arith.constant 400 : i32
    %add3A_25 = arith.addi %mul3A_13, %add3A_24 : i32
    "tpu.region"() ({
      %run_scoped3A = tpu.sem_alloc : memref<!tpu.dma_semaphore, #tpu.memory_space<semaphore_mem>>
      %dma_start3A_165 = arith.constant 0 : i32
      %dma_start3A_166 = tpu.memref_slice %arg11[%add3A_25, %dma_start3A_165] : memref<10000x128xf32, #tpu.memory_space<vmem_shared>> -> memref<80x128xf32, #tpu.memory_space<vmem_shared>>
      %dma_start3A_167 = arith.constant 0 : i32
      %dma_start3A_168 = tpu.memref_slice %arg11[%add3A_25, %dma_start3A_167] : memref<10000x128xf32, #tpu.memory_space<vmem_shared>> -> memref<80x128xf32, #tpu.memory_space<vmem_shared>>
      tpu.enqueue_dma source(%arg9 : memref<80x128xf32, #tpu.memory_space<vmem>>) target(%dma_start3A_168 : memref<80x128xf32, #tpu.memory_space<vmem_shared>>) target_semaphore(%run_scoped3A : memref<!tpu.dma_semaphore, #tpu.memory_space<semaphore_mem>>)
      %dma_wait3A_169 = arith.constant 0 : i32
      %dma_wait3A_170 = tpu.memref_slice %arg11[%add3A_25, %dma_wait3A_169] : memref<10000x128xf32, #tpu.memory_space<vmem_shared>> -> memref<80x128xf32, #tpu.memory_space<vmem_shared>>
      %dma_wait3A_171 = arith.constant 0 : i32
      %dma_wait3A_172 = tpu.memref_slice %arg11[%add3A_25, %dma_wait3A_171] : memref<10000x128xf32, #tpu.memory_space<vmem_shared>> -> memref<80x128xf32, #tpu.memory_space<vmem_shared>>
      tpu.wait_dma2 semaphore(%run_scoped3A : memref<!tpu.dma_semaphore, #tpu.memory_space<semaphore_mem>>) src(%arg9 : memref<80x128xf32, #tpu.memory_space<vmem>>) dst(%dma_wait3A_172 : memref<80x128xf32, #tpu.memory_space<vmem_shared>>)
      tpu.yield
    }) : () -> ()
    %add3A_26 = arith.constant 480 : i32
    %add3A_27 = arith.addi %mul3A_13, %add3A_26 : i32
    "tpu.region"() ({
      %run_scoped3A = tpu.sem_alloc : memref<!tpu.dma_semaphore, #tpu.memory_space<semaphore_mem>>
      %dma_start3A_165 = arith.constant 0 : i32
      %dma_start3A_166 = tpu.memref_slice %arg11[%add3A_27, %dma_start3A_165] : memref<10000x128xf32, #tpu.memory_space<vmem_shared>> -> memref<80x128xf32, #tpu.memory_space<vmem_shared>>
      %dma_start3A_167 = arith.constant 0 : i32
      %dma_start3A_168 = tpu.memref_slice %arg11[%add3A_27, %dma_start3A_167] : memref<10000x128xf32, #tpu.memory_space<vmem_shared>> -> memref<80x128xf32, #tpu.memory_space<vmem_shared>>
      tpu.enqueue_dma source(%arg9 : memref<80x128xf32, #tpu.memory_space<vmem>>) target(%dma_start3A_168 : memref<80x128xf32, #tpu.memory_space<vmem_shared>>) target_semaphore(%run_scoped3A : memref<!tpu.dma_semaphore, #tpu.memory_space<semaphore_mem>>)
      %dma_wait3A_169 = arith.constant 0 : i32
      %dma_wait3A_170 = tpu.memref_slice %arg11[%add3A_27, %dma_wait3A_169] : memref<10000x128xf32, #tpu.memory_space<vmem_shared>> -> memref<80x128xf32, #tpu.memory_space<vmem_shared>>
      %dma_wait3A_171 = arith.constant 0 : i32
      %dma_wait3A_172 = tpu.memref_slice %arg11[%add3A_27, %dma_wait3A_171] : memref<10000x128xf32, #tpu.memory_space<vmem_shared>> -> memref<80x128xf32, #tpu.memory_space<vmem_shared>>
      tpu.wait_dma2 semaphore(%run_scoped3A : memref<!tpu.dma_semaphore, #tpu.memory_space<semaphore_mem>>) src(%arg9 : memref<80x128xf32, #tpu.memory_space<vmem>>) dst(%dma_wait3A_172 : memref<80x128xf32, #tpu.memory_space<vmem_shared>>)
      tpu.yield
    }) : () -> ()
    %add3A_28 = arith.constant 560 : i32
    %add3A_29 = arith.addi %mul3A_13, %add3A_28 : i32
    "tpu.region"() ({
      %run_scoped3A = tpu.sem_alloc : memref<!tpu.dma_semaphore, #tpu.memory_space<semaphore_mem>>
      %dma_start3A_165 = arith.constant 0 : i32
      %dma_start3A_166 = arith.constant 0 : i32
      %dma_start3A_167 = tpu.memref_slice %arg9[%dma_start3A_165, %dma_start3A_166] : memref<80x128xf32, #tpu.memory_space<vmem>> -> memref<64x128xf32, #tpu.memory_space<vmem>>
      %dma_start3A_168 = arith.constant 0 : i32
      %dma_start3A_169 = tpu.memref_slice %arg11[%add3A_29, %dma_start3A_168] : memref<10000x128xf32, #tpu.memory_space<vmem_shared>> -> memref<64x128xf32, #tpu.memory_space<vmem_shared>>
      %dma_start3A_170 = arith.constant 0 : i32
      %dma_start3A_171 = tpu.memref_slice %arg11[%add3A_29, %dma_start3A_170] : memref<10000x128xf32, #tpu.memory_space<vmem_shared>> -> memref<64x128xf32, #tpu.memory_space<vmem_shared>>
      %dma_start3A_172 = arith.constant 0 : i32
      %dma_start3A_173 = arith.constant 0 : i32
      %dma_start3A_174 = tpu.memref_slice %arg9[%dma_start3A_172, %dma_start3A_173] : memref<80x128xf32, #tpu.memory_space<vmem>> -> memref<64x128xf32, #tpu.memory_space<vmem>>
      tpu.enqueue_dma source(%dma_start3A_174 : memref<64x128xf32, #tpu.memory_space<vmem>>) target(%dma_start3A_171 : memref<64x128xf32, #tpu.memory_space<vmem_shared>>) target_semaphore(%run_scoped3A : memref<!tpu.dma_semaphore, #tpu.memory_space<semaphore_mem>>)
      %dma_wait3A_175 = arith.constant 0 : i32
      %dma_wait3A_176 = arith.constant 0 : i32
      %dma_wait3A_177 = tpu.memref_slice %arg9[%dma_wait3A_175, %dma_wait3A_176] : memref<80x128xf32, #tpu.memory_space<vmem>> -> memref<64x128xf32, #tpu.memory_space<vmem>>
      %dma_wait3A_178 = arith.constant 0 : i32
      %dma_wait3A_179 = tpu.memref_slice %arg11[%add3A_29, %dma_wait3A_178] : memref<10000x128xf32, #tpu.memory_space<vmem_shared>> -> memref<64x128xf32, #tpu.memory_space<vmem_shared>>
      %dma_wait3A_180 = arith.constant 0 : i32
      %dma_wait3A_181 = tpu.memref_slice %arg11[%add3A_29, %dma_wait3A_180] : memref<10000x128xf32, #tpu.memory_space<vmem_shared>> -> memref<64x128xf32, #tpu.memory_space<vmem_shared>>
      %dma_wait3A_182 = arith.constant 0 : i32
      %dma_wait3A_183 = arith.constant 0 : i32
      %dma_wait3A_184 = tpu.memref_slice %arg9[%dma_wait3A_182, %dma_wait3A_183] : memref<80x128xf32, #tpu.memory_space<vmem>> -> memref<64x128xf32, #tpu.memory_space<vmem>>
      tpu.wait_dma2 semaphore(%run_scoped3A : memref<!tpu.dma_semaphore, #tpu.memory_space<semaphore_mem>>) src(%dma_wait3A_184 : memref<64x128xf32, #tpu.memory_space<vmem>>) dst(%dma_wait3A_181 : memref<64x128xf32, #tpu.memory_space<vmem_shared>>)
      tpu.yield
    }) : () -> ()
    %eq3A = arith.constant 15 : i32
    %eq3A_30 = arith.cmpi eq, %arg1, %eq3A : i32
    %convert_element_type3A = arith.extui %eq3A_30 : i1 to i32
    %cond3A = arith.constant 0 : i32
    %cond3A_31 = arith.cmpi ne, %convert_element_type3A, %cond3A : i32
    scf.if %cond3A_31 {
      "tpu.region"() ({
        %run_scoped3A = tpu.sem_alloc : memref<!tpu.dma_semaphore, #tpu.memory_space<semaphore_mem>>
        %dma_start3A_165 = arith.constant 0 : i32
        %dma_start3A_166 = arith.constant 0 : i32
        %dma_start3A_167 = tpu.memref_slice %arg9[%dma_start3A_165, %dma_start3A_166] : memref<80x128xf32, #tpu.memory_space<vmem>> -> memref<16x128xf32, #tpu.memory_space<vmem>>
        %dma_start3A_168 = arith.constant 9984 : i32
        %dma_start3A_169 = arith.constant 0 : i32
        %dma_start3A_170 = tpu.memref_slice %arg11[%dma_start3A_168, %dma_start3A_169] : memref<10000x128xf32, #tpu.memory_space<vmem_shared>> -> memref<16x128xf32, #tpu.memory_space<vmem_shared>>
        %dma_start3A_171 = arith.constant 9984 : i32
        %dma_start3A_172 = arith.constant 0 : i32
        %dma_start3A_173 = tpu.memref_slice %arg11[%dma_start3A_171, %dma_start3A_172] : memref<10000x128xf32, #tpu.memory_space<vmem_shared>> -> memref<16x128xf32, #tpu.memory_space<vmem_shared>>
        %dma_start3A_174 = arith.constant 0 : i32
        %dma_start3A_175 = arith.constant 0 : i32
        %dma_start3A_176 = tpu.memref_slice %arg9[%dma_start3A_174, %dma_start3A_175] : memref<80x128xf32, #tpu.memory_space<vmem>> -> memref<16x128xf32, #tpu.memory_space<vmem>>
        tpu.enqueue_dma source(%dma_start3A_176 : memref<16x128xf32, #tpu.memory_space<vmem>>) target(%dma_start3A_173 : memref<16x128xf32, #tpu.memory_space<vmem_shared>>) target_semaphore(%run_scoped3A : memref<!tpu.dma_semaphore, #tpu.memory_space<semaphore_mem>>)
        %dma_wait3A_177 = arith.constant 0 : i32
        %dma_wait3A_178 = arith.constant 0 : i32
        %dma_wait3A_179 = tpu.memref_slice %arg9[%dma_wait3A_177, %dma_wait3A_178] : memref<80x128xf32, #tpu.memory_space<vmem>> -> memref<16x128xf32, #tpu.memory_space<vmem>>
        %dma_wait3A_180 = arith.constant 9984 : i32
        %dma_wait3A_181 = arith.constant 0 : i32
        %dma_wait3A_182 = tpu.memref_slice %arg11[%dma_wait3A_180, %dma_wait3A_181] : memref<10000x128xf32, #tpu.memory_space<vmem_shared>> -> memref<16x128xf32, #tpu.memory_space<vmem_shared>>
        %dma_wait3A_183 = arith.constant 9984 : i32
        %dma_wait3A_184 = arith.constant 0 : i32
        %dma_wait3A_185 = tpu.memref_slice %arg11[%dma_wait3A_183, %dma_wait3A_184] : memref<10000x128xf32, #tpu.memory_space<vmem_shared>> -> memref<16x128xf32, #tpu.memory_space<vmem_shared>>
        %dma_wait3A_186 = arith.constant 0 : i32
        %dma_wait3A_187 = arith.constant 0 : i32
        %dma_wait3A_188 = tpu.memref_slice %arg9[%dma_wait3A_186, %dma_wait3A_187] : memref<80x128xf32, #tpu.memory_space<vmem>> -> memref<16x128xf32, #tpu.memory_space<vmem>>
        tpu.wait_dma2 semaphore(%run_scoped3A : memref<!tpu.dma_semaphore, #tpu.memory_space<semaphore_mem>>) src(%dma_wait3A_188 : memref<16x128xf32, #tpu.memory_space<vmem>>) dst(%dma_wait3A_185 : memref<16x128xf32, #tpu.memory_space<vmem_shared>>)
        tpu.yield
      }) : () -> ()
    } else {
    }
    %barrier3A = arith.constant 0 : index
    tpu.barrier barrier_id(%barrier3A)
    %dma_wait3A = arith.constant 0 : i32
    %dma_wait3A_32 = arith.constant 0 : i32
    %dma_wait3A_33 = tpu.memref_slice %arg3[%dma_wait3A, %dma_wait3A_32] : memref<32x10000xi32, #tpu.memory_space<hbm>> -> memref<1x10000xi32, #tpu.memory_space<hbm>>
    %dma_wait3A_34 = tpu.memref_squeeze %dma_wait3A_33 : memref<1x10000xi32, #tpu.memory_space<hbm>> -> memref<10000xi32, #tpu.memory_space<hbm>>
    %dma_wait3A_35 = arith.constant 0 : i32
    %dma_wait3A_36 = tpu.memref_slice %arg3[%dma_wait3A, %dma_wait3A_35] : memref<32x10000xi32, #tpu.memory_space<hbm>> -> memref<1x10000xi32, #tpu.memory_space<hbm>>
    %dma_wait3A_37 = tpu.memref_squeeze %dma_wait3A_36 : memref<1x10000xi32, #tpu.memory_space<hbm>> -> memref<10000xi32, #tpu.memory_space<hbm>>
    tpu.wait_dma2 semaphore(%arg16 : memref<!tpu.dma_semaphore, #tpu.memory_space<semaphore_mem>>) src(%dma_wait3A_37 : memref<10000xi32, #tpu.memory_space<hbm>>) dst(%arg6 : memref<10000xi32, #tpu.memory_space<vmem>>)
    %dma_start3A_38 = arith.constant 0 : i32
    %dma_start3A_39 = arith.constant 0 : i32
    %dma_start3A_40 = tpu.memref_slice %arg4[%add3A, %dma_start3A_38, %dma_start3A_39] : memref<32x125x80xi32, #tpu.memory_space<hbm>> -> memref<1x1x80xi32, #tpu.memory_space<hbm>>
    %dma_start3A_41 = tpu.memref_squeeze %dma_start3A_40 : memref<1x1x80xi32, #tpu.memory_space<hbm>> -> memref<80xi32, #tpu.memory_space<hbm>>
    %dma_start3A_42 = arith.constant 0 : i32
    %dma_start3A_43 = tpu.memref_slice %arg4[%add3A, %dma_start3A_38, %dma_start3A_42] : memref<32x125x80xi32, #tpu.memory_space<hbm>> -> memref<1x1x80xi32, #tpu.memory_space<hbm>>
    %dma_start3A_44 = tpu.memref_squeeze %dma_start3A_43 : memref<1x1x80xi32, #tpu.memory_space<hbm>> -> memref<80xi32, #tpu.memory_space<hbm>>
    tpu.enqueue_dma source(%dma_start3A_44 : memref<80xi32, #tpu.memory_space<hbm>>) target(%arg7 : memref<80xi32, #tpu.memory_space<vmem>>) target_semaphore(%arg14 : memref<!tpu.dma_semaphore, #tpu.memory_space<semaphore_mem>>)
    %dma_start3A_45 = arith.constant 0 : i32
    %dma_start3A_46 = arith.constant 0 : i32
    %dma_start3A_47 = tpu.memref_slice %arg9[%dma_start3A_45, %dma_start3A_46] : memref<80x128xf32, #tpu.memory_space<vmem>> -> memref<16x128xf32, #tpu.memory_space<vmem>>
    %dma_start3A_48 = arith.constant 0 : i32
    %dma_start3A_49 = tpu.memref_slice %arg6[%dma_start3A_48] : memref<10000xi32, #tpu.memory_space<vmem>> -> memref<16xi32, #tpu.memory_space<vmem>>
    %dma_start3A_50 = arith.constant 0 : i32
    %dma_start3A_51 = arith.constant 0 : i32
    %dma_start3A_52 = tpu.memref_slice %arg2[%dma_start3A_50, %dma_start3A_51] : memref<10000x128xf32, #tpu.memory_space<hbm>> -> memref<10000x128xf32, #tpu.memory_space<hbm>>
    tpu.enqueue_indirect_dma source(%dma_start3A_52 : memref<10000x128xf32, #tpu.memory_space<hbm>>) target(%dma_start3A_47 : memref<16x128xf32, #tpu.memory_space<vmem>>) offsets(%dma_start3A_49 : memref<16xi32, #tpu.memory_space<vmem>>) semaphore(%arg12 : memref<!tpu.dma_semaphore, #tpu.memory_space<semaphore_mem>>)
    %dma_start3A_53 = arith.constant 16 : i32
    %dma_start3A_54 = arith.constant 0 : i32
    %dma_start3A_55 = tpu.memref_slice %arg9[%dma_start3A_53, %dma_start3A_54] : memref<80x128xf32, #tpu.memory_space<vmem>> -> memref<16x128xf32, #tpu.memory_space<vmem>>
    %dma_start3A_56 = arith.constant 16 : i32
    %dma_start3A_57 = tpu.memref_slice %arg6[%dma_start3A_56] : memref<10000xi32, #tpu.memory_space<vmem>> -> memref<16xi32, #tpu.memory_space<vmem>>
    %dma_start3A_58 = arith.constant 0 : i32
    %dma_start3A_59 = arith.constant 0 : i32
    %dma_start3A_60 = tpu.memref_slice %arg2[%dma_start3A_58, %dma_start3A_59] : memref<10000x128xf32, #tpu.memory_space<hbm>> -> memref<10000x128xf32, #tpu.memory_space<hbm>>
    tpu.enqueue_indirect_dma source(%dma_start3A_60 : memref<10000x128xf32, #tpu.memory_space<hbm>>) target(%dma_start3A_55 : memref<16x128xf32, #tpu.memory_space<vmem>>) offsets(%dma_start3A_57 : memref<16xi32, #tpu.memory_space<vmem>>) semaphore(%arg12 : memref<!tpu.dma_semaphore, #tpu.memory_space<semaphore_mem>>)
    %dma_start3A_61 = arith.constant 32 : i32
    %dma_start3A_62 = arith.constant 0 : i32
    %dma_start3A_63 = tpu.memref_slice %arg9[%dma_start3A_61, %dma_start3A_62] : memref<80x128xf32, #tpu.memory_space<vmem>> -> memref<16x128xf32, #tpu.memory_space<vmem>>
    %dma_start3A_64 = arith.constant 32 : i32
    %dma_start3A_65 = tpu.memref_slice %arg6[%dma_start3A_64] : memref<10000xi32, #tpu.memory_space<vmem>> -> memref<16xi32, #tpu.memory_space<vmem>>
    %dma_start3A_66 = arith.constant 0 : i32
    %dma_start3A_67 = arith.constant 0 : i32
    %dma_start3A_68 = tpu.memref_slice %arg2[%dma_start3A_66, %dma_start3A_67] : memref<10000x128xf32, #tpu.memory_space<hbm>> -> memref<10000x128xf32, #tpu.memory_space<hbm>>
    tpu.enqueue_indirect_dma source(%dma_start3A_68 : memref<10000x128xf32, #tpu.memory_space<hbm>>) target(%dma_start3A_63 : memref<16x128xf32, #tpu.memory_space<vmem>>) offsets(%dma_start3A_65 : memref<16xi32, #tpu.memory_space<vmem>>) semaphore(%arg12 : memref<!tpu.dma_semaphore, #tpu.memory_space<semaphore_mem>>)
    %dma_start3A_69 = arith.constant 48 : i32
    %dma_start3A_70 = arith.constant 0 : i32
    %dma_start3A_71 = tpu.memref_slice %arg9[%dma_start3A_69, %dma_start3A_70] : memref<80x128xf32, #tpu.memory_space<vmem>> -> memref<16x128xf32, #tpu.memory_space<vmem>>
    %dma_start3A_72 = arith.constant 48 : i32
    %dma_start3A_73 = tpu.memref_slice %arg6[%dma_start3A_72] : memref<10000xi32, #tpu.memory_space<vmem>> -> memref<16xi32, #tpu.memory_space<vmem>>
    %dma_start3A_74 = arith.constant 0 : i32
    %dma_start3A_75 = arith.constant 0 : i32
    %dma_start3A_76 = tpu.memref_slice %arg2[%dma_start3A_74, %dma_start3A_75] : memref<10000x128xf32, #tpu.memory_space<hbm>> -> memref<10000x128xf32, #tpu.memory_space<hbm>>
    tpu.enqueue_indirect_dma source(%dma_start3A_76 : memref<10000x128xf32, #tpu.memory_space<hbm>>) target(%dma_start3A_71 : memref<16x128xf32, #tpu.memory_space<vmem>>) offsets(%dma_start3A_73 : memref<16xi32, #tpu.memory_space<vmem>>) semaphore(%arg12 : memref<!tpu.dma_semaphore, #tpu.memory_space<semaphore_mem>>)
    %dma_start3A_77 = arith.constant 64 : i32
    %dma_start3A_78 = arith.constant 0 : i32
    %dma_start3A_79 = tpu.memref_slice %arg9[%dma_start3A_77, %dma_start3A_78] : memref<80x128xf32, #tpu.memory_space<vmem>> -> memref<16x128xf32, #tpu.memory_space<vmem>>
    %dma_start3A_80 = arith.constant 64 : i32
    %dma_start3A_81 = tpu.memref_slice %arg6[%dma_start3A_80] : memref<10000xi32, #tpu.memory_space<vmem>> -> memref<16xi32, #tpu.memory_space<vmem>>
    %dma_start3A_82 = arith.constant 0 : i32
    %dma_start3A_83 = arith.constant 0 : i32
    %dma_start3A_84 = tpu.memref_slice %arg2[%dma_start3A_82, %dma_start3A_83] : memref<10000x128xf32, #tpu.memory_space<hbm>> -> memref<10000x128xf32, #tpu.memory_space<hbm>>
    tpu.enqueue_indirect_dma source(%dma_start3A_84 : memref<10000x128xf32, #tpu.memory_space<hbm>>) target(%dma_start3A_79 : memref<16x128xf32, #tpu.memory_space<vmem>>) offsets(%dma_start3A_81 : memref<16xi32, #tpu.memory_space<vmem>>) semaphore(%arg12 : memref<!tpu.dma_semaphore, #tpu.memory_space<semaphore_mem>>)
    %scan3A_85 = arith.constant 0 : i32
    %scan3A_86 = arith.constant 0 : i32
    %scan3A_87 = arith.constant 62 : i32
    %scan3A_88 = arith.addi %scan3A_86, %scan3A_87 : i32
    %scan3A_89 = arith.constant 1 : i32
    scf.for %scan3A_165 = %scan3A_86 to %scan3A_88 step %scan3A_89  : i32 {
      %mul3A_166 = arith.constant 2 : i32
      %mul3A_167 = arith.muli %scan3A_165, %mul3A_166 : i32
      %add3A_168 = arith.constant 1 : i32
      %add3A_169 = arith.addi %mul3A_167, %add3A_168 : i32
      %mul3A_170 = arith.constant 80 : i32
      %mul3A_171 = arith.muli %add3A_169, %mul3A_170 : i32
      %add3A_172 = arith.constant 0 : i32
      %add3A_173 = arith.addi %mul3A_171, %add3A_172 : i32
      %dma_start3A_174 = arith.constant 0 : i32
      %dma_start3A_175 = arith.constant 0 : i32
      %dma_start3A_176 = tpu.memref_slice %arg10[%dma_start3A_174, %dma_start3A_175] : memref<80x128xf32, #tpu.memory_space<vmem>> -> memref<16x128xf32, #tpu.memory_space<vmem>>
      %dma_start3A_177 = tpu.memref_slice %arg6[%add3A_173] : memref<10000xi32, #tpu.memory_space<vmem>> -> memref<16xi32, #tpu.memory_space<vmem>>
      %dma_start3A_178 = arith.constant 0 : i32
      %dma_start3A_179 = arith.constant 0 : i32
      %dma_start3A_180 = tpu.memref_slice %arg2[%dma_start3A_178, %dma_start3A_179] : memref<10000x128xf32, #tpu.memory_space<hbm>> -> memref<10000x128xf32, #tpu.memory_space<hbm>>
      tpu.enqueue_indirect_dma source(%dma_start3A_180 : memref<10000x128xf32, #tpu.memory_space<hbm>>) target(%dma_start3A_176 : memref<16x128xf32, #tpu.memory_space<vmem>>) offsets(%dma_start3A_177 : memref<16xi32, #tpu.memory_space<vmem>>) semaphore(%arg13 : memref<!tpu.dma_semaphore, #tpu.memory_space<semaphore_mem>>)
      %mul3A_181 = arith.constant 80 : i32
      %mul3A_182 = arith.muli %add3A_169, %mul3A_181 : i32
      %add3A_183 = arith.constant 16 : i32
      %add3A_184 = arith.addi %mul3A_182, %add3A_183 : i32
      %dma_start3A_185 = arith.constant 16 : i32
      %dma_start3A_186 = arith.constant 0 : i32
      %dma_start3A_187 = tpu.memref_slice %arg10[%dma_start3A_185, %dma_start3A_186] : memref<80x128xf32, #tpu.memory_space<vmem>> -> memref<16x128xf32, #tpu.memory_space<vmem>>
      %dma_start3A_188 = tpu.memref_slice %arg6[%add3A_184] : memref<10000xi32, #tpu.memory_space<vmem>> -> memref<16xi32, #tpu.memory_space<vmem>>
      %dma_start3A_189 = arith.constant 0 : i32
      %dma_start3A_190 = arith.constant 0 : i32
      %dma_start3A_191 = tpu.memref_slice %arg2[%dma_start3A_189, %dma_start3A_190] : memref<10000x128xf32, #tpu.memory_space<hbm>> -> memref<10000x128xf32, #tpu.memory_space<hbm>>
      tpu.enqueue_indirect_dma source(%dma_start3A_191 : memref<10000x128xf32, #tpu.memory_space<hbm>>) target(%dma_start3A_187 : memref<16x128xf32, #tpu.memory_space<vmem>>) offsets(%dma_start3A_188 : memref<16xi32, #tpu.memory_space<vmem>>) semaphore(%arg13 : memref<!tpu.dma_semaphore, #tpu.memory_space<semaphore_mem>>)
      %mul3A_192 = arith.constant 80 : i32
      %mul3A_193 = arith.muli %add3A_169, %mul3A_192 : i32
      %add3A_194 = arith.constant 32 : i32
      %add3A_195 = arith.addi %mul3A_193, %add3A_194 : i32
      %dma_start3A_196 = arith.constant 32 : i32
      %dma_start3A_197 = arith.constant 0 : i32
      %dma_start3A_198 = tpu.memref_slice %arg10[%dma_start3A_196, %dma_start3A_197] : memref<80x128xf32, #tpu.memory_space<vmem>> -> memref<16x128xf32, #tpu.memory_space<vmem>>
      %dma_start3A_199 = tpu.memref_slice %arg6[%add3A_195] : memref<10000xi32, #tpu.memory_space<vmem>> -> memref<16xi32, #tpu.memory_space<vmem>>
      %dma_start3A_200 = arith.constant 0 : i32
      %dma_start3A_201 = arith.constant 0 : i32
      %dma_start3A_202 = tpu.memref_slice %arg2[%dma_start3A_200, %dma_start3A_201] : memref<10000x128xf32, #tpu.memory_space<hbm>> -> memref<10000x128xf32, #tpu.memory_space<hbm>>
      tpu.enqueue_indirect_dma source(%dma_start3A_202 : memref<10000x128xf32, #tpu.memory_space<hbm>>) target(%dma_start3A_198 : memref<16x128xf32, #tpu.memory_space<vmem>>) offsets(%dma_start3A_199 : memref<16xi32, #tpu.memory_space<vmem>>) semaphore(%arg13 : memref<!tpu.dma_semaphore, #tpu.memory_space<semaphore_mem>>)
      %mul3A_203 = arith.constant 80 : i32
      %mul3A_204 = arith.muli %add3A_169, %mul3A_203 : i32
      %add3A_205 = arith.constant 48 : i32
      %add3A_206 = arith.addi %mul3A_204, %add3A_205 : i32
      %dma_start3A_207 = arith.constant 48 : i32
      %dma_start3A_208 = arith.constant 0 : i32
      %dma_start3A_209 = tpu.memref_slice %arg10[%dma_start3A_207, %dma_start3A_208] : memref<80x128xf32, #tpu.memory_space<vmem>> -> memref<16x128xf32, #tpu.memory_space<vmem>>
      %dma_start3A_210 = tpu.memref_slice %arg6[%add3A_206] : memref<10000xi32, #tpu.memory_space<vmem>> -> memref<16xi32, #tpu.memory_space<vmem>>
      %dma_start3A_211 = arith.constant 0 : i32
      %dma_start3A_212 = arith.constant 0 : i32
      %dma_start3A_213 = tpu.memref_slice %arg2[%dma_start3A_211, %dma_start3A_212] : memref<10000x128xf32, #tpu.memory_space<hbm>> -> memref<10000x128xf32, #tpu.memory_space<hbm>>
      tpu.enqueue_indirect_dma source(%dma_start3A_213 : memref<10000x128xf32, #tpu.memory_space<hbm>>) target(%dma_start3A_209 : memref<16x128xf32, #tpu.memory_space<vmem>>) offsets(%dma_start3A_210 : memref<16xi32, #tpu.memory_space<vmem>>) semaphore(%arg13 : memref<!tpu.dma_semaphore, #tpu.memory_space<semaphore_mem>>)
      %mul3A_214 = arith.constant 80 : i32
      %mul3A_215 = arith.muli %add3A_169, %mul3A_214 : i32
      %add3A_216 = arith.constant 64 : i32
      %add3A_217 = arith.addi %mul3A_215, %add3A_216 : i32
      %dma_start3A_218 = arith.constant 64 : i32
      %dma_start3A_219 = arith.constant 0 : i32
      %dma_start3A_220 = tpu.memref_slice %arg10[%dma_start3A_218, %dma_start3A_219] : memref<80x128xf32, #tpu.memory_space<vmem>> -> memref<16x128xf32, #tpu.memory_space<vmem>>
      %dma_start3A_221 = tpu.memref_slice %arg6[%add3A_217] : memref<10000xi32, #tpu.memory_space<vmem>> -> memref<16xi32, #tpu.memory_space<vmem>>
      %dma_start3A_222 = arith.constant 0 : i32
      %dma_start3A_223 = arith.constant 0 : i32
      %dma_start3A_224 = tpu.memref_slice %arg2[%dma_start3A_222, %dma_start3A_223] : memref<10000x128xf32, #tpu.memory_space<hbm>> -> memref<10000x128xf32, #tpu.memory_space<hbm>>
      tpu.enqueue_indirect_dma source(%dma_start3A_224 : memref<10000x128xf32, #tpu.memory_space<hbm>>) target(%dma_start3A_220 : memref<16x128xf32, #tpu.memory_space<vmem>>) offsets(%dma_start3A_221 : memref<16xi32, #tpu.memory_space<vmem>>) semaphore(%arg13 : memref<!tpu.dma_semaphore, #tpu.memory_space<semaphore_mem>>)
      %add3A_225 = arith.constant 1 : i32
      %add3A_226 = arith.addi %mul3A_167, %add3A_225 : i32
      %dma_start3A_227 = arith.constant 0 : i32
      %dma_start3A_228 = tpu.memref_slice %arg4[%add3A, %add3A_226, %dma_start3A_227] : memref<32x125x80xi32, #tpu.memory_space<hbm>> -> memref<1x1x80xi32, #tpu.memory_space<hbm>>
      %dma_start3A_229 = tpu.memref_squeeze %dma_start3A_228 : memref<1x1x80xi32, #tpu.memory_space<hbm>> -> memref<80xi32, #tpu.memory_space<hbm>>
      %dma_start3A_230 = arith.constant 0 : i32
      %dma_start3A_231 = tpu.memref_slice %arg4[%add3A, %add3A_226, %dma_start3A_230] : memref<32x125x80xi32, #tpu.memory_space<hbm>> -> memref<1x1x80xi32, #tpu.memory_space<hbm>>
      %dma_start3A_232 = tpu.memref_squeeze %dma_start3A_231 : memref<1x1x80xi32, #tpu.memory_space<hbm>> -> memref<80xi32, #tpu.memory_space<hbm>>
      tpu.enqueue_dma source(%dma_start3A_232 : memref<80xi32, #tpu.memory_space<hbm>>) target(%arg8 : memref<80xi32, #tpu.memory_space<vmem>>) target_semaphore(%arg15 : memref<!tpu.dma_semaphore, #tpu.memory_space<semaphore_mem>>)
      %dma_wait3A_233 = arith.constant 0 : i32
      %dma_wait3A_234 = arith.constant 0 : i32
      %dma_wait3A_235 = arith.constant 0 : i32
      %dma_wait3A_236 = tpu.memref_slice %arg4[%dma_wait3A_233, %dma_wait3A_234, %dma_wait3A_235] : memref<32x125x80xi32, #tpu.memory_space<hbm>> -> memref<1x1x80xi32, #tpu.memory_space<hbm>>
      %dma_wait3A_237 = tpu.memref_squeeze %dma_wait3A_236 : memref<1x1x80xi32, #tpu.memory_space<hbm>> -> memref<80xi32, #tpu.memory_space<hbm>>
      %dma_wait3A_238 = arith.constant 0 : i32
      %dma_wait3A_239 = tpu.memref_slice %arg4[%dma_wait3A_233, %dma_wait3A_234, %dma_wait3A_238] : memref<32x125x80xi32, #tpu.memory_space<hbm>> -> memref<1x1x80xi32, #tpu.memory_space<hbm>>
      %dma_wait3A_240 = tpu.memref_squeeze %dma_wait3A_239 : memref<1x1x80xi32, #tpu.memory_space<hbm>> -> memref<80xi32, #tpu.memory_space<hbm>>
      tpu.wait_dma2 semaphore(%arg14 : memref<!tpu.dma_semaphore, #tpu.memory_space<semaphore_mem>>) src(%dma_wait3A_240 : memref<80xi32, #tpu.memory_space<hbm>>) dst(%arg7 : memref<80xi32, #tpu.memory_space<vmem>>)
      %dma_wait3A_241 = arith.constant 0 : i32
      %dma_wait3A_242 = arith.constant 0 : i32
      %dma_wait3A_243 = tpu.memref_slice %arg9[%dma_wait3A_241, %dma_wait3A_242] : memref<80x128xf32, #tpu.memory_space<vmem>> -> memref<16x128xf32, #tpu.memory_space<vmem>>
      %dma_wait3A_244 = arith.constant 0 : i32
      %dma_wait3A_245 = arith.constant 0 : i32
      %dma_wait3A_246 = tpu.memref_slice %arg2[%dma_wait3A_244, %dma_wait3A_245] : memref<10000x128xf32, #tpu.memory_space<hbm>> -> memref<16x128xf32, #tpu.memory_space<hbm>>
      %dma_wait3A_247 = arith.constant 0 : i32
      %dma_wait3A_248 = arith.constant 0 : i32
      %dma_wait3A_249 = tpu.memref_slice %arg9[%dma_wait3A_247, %dma_wait3A_248] : memref<80x128xf32, #tpu.memory_space<vmem>> -> memref<16x128xf32, #tpu.memory_space<vmem>>
      %dma_wait3A_250 = arith.constant 0 : i32
      %dma_wait3A_251 = arith.constant 0 : i32
      %dma_wait3A_252 = tpu.memref_slice %arg2[%dma_wait3A_250, %dma_wait3A_251] : memref<10000x128xf32, #tpu.memory_space<hbm>> -> memref<16x128xf32, #tpu.memory_space<hbm>>
      tpu.wait_dma2 semaphore(%arg12 : memref<!tpu.dma_semaphore, #tpu.memory_space<semaphore_mem>>) src(%dma_wait3A_252 : memref<16x128xf32, #tpu.memory_space<hbm>>) dst(%dma_wait3A_249 : memref<16x128xf32, #tpu.memory_space<vmem>>)
      %dma_wait3A_253 = arith.constant 16 : i32
      %dma_wait3A_254 = arith.constant 0 : i32
      %dma_wait3A_255 = tpu.memref_slice %arg9[%dma_wait3A_253, %dma_wait3A_254] : memref<80x128xf32, #tpu.memory_space<vmem>> -> memref<16x128xf32, #tpu.memory_space<vmem>>
      %dma_wait3A_256 = arith.constant 0 : i32
      %dma_wait3A_257 = arith.constant 0 : i32
      %dma_wait3A_258 = tpu.memref_slice %arg2[%dma_wait3A_256, %dma_wait3A_257] : memref<10000x128xf32, #tpu.memory_space<hbm>> -> memref<16x128xf32, #tpu.memory_space<hbm>>
      %dma_wait3A_259 = arith.constant 16 : i32
      %dma_wait3A_260 = arith.constant 0 : i32
      %dma_wait3A_261 = tpu.memref_slice %arg9[%dma_wait3A_259, %dma_wait3A_260] : memref<80x128xf32, #tpu.memory_space<vmem>> -> memref<16x128xf32, #tpu.memory_space<vmem>>
      %dma_wait3A_262 = arith.constant 0 : i32
      %dma_wait3A_263 = arith.constant 0 : i32
      %dma_wait3A_264 = tpu.memref_slice %arg2[%dma_wait3A_262, %dma_wait3A_263] : memref<10000x128xf32, #tpu.memory_space<hbm>> -> memref<16x128xf32, #tpu.memory_space<hbm>>
      tpu.wait_dma2 semaphore(%arg12 : memref<!tpu.dma_semaphore, #tpu.memory_space<semaphore_mem>>) src(%dma_wait3A_264 : memref<16x128xf32, #tpu.memory_space<hbm>>) dst(%dma_wait3A_261 : memref<16x128xf32, #tpu.memory_space<vmem>>)
      %dma_wait3A_265 = arith.constant 32 : i32
      %dma_wait3A_266 = arith.constant 0 : i32
      %dma_wait3A_267 = tpu.memref_slice %arg9[%dma_wait3A_265, %dma_wait3A_266] : memref<80x128xf32, #tpu.memory_space<vmem>> -> memref<16x128xf32, #tpu.memory_space<vmem>>
      %dma_wait3A_268 = arith.constant 0 : i32
      %dma_wait3A_269 = arith.constant 0 : i32
      %dma_wait3A_270 = tpu.memref_slice %arg2[%dma_wait3A_268, %dma_wait3A_269] : memref<10000x128xf32, #tpu.memory_space<hbm>> -> memref<16x128xf32, #tpu.memory_space<hbm>>
      %dma_wait3A_271 = arith.constant 32 : i32
      %dma_wait3A_272 = arith.constant 0 : i32
      %dma_wait3A_273 = tpu.memref_slice %arg9[%dma_wait3A_271, %dma_wait3A_272] : memref<80x128xf32, #tpu.memory_space<vmem>> -> memref<16x128xf32, #tpu.memory_space<vmem>>
      %dma_wait3A_274 = arith.constant 0 : i32
      %dma_wait3A_275 = arith.constant 0 : i32
      %dma_wait3A_276 = tpu.memref_slice %arg2[%dma_wait3A_274, %dma_wait3A_275] : memref<10000x128xf32, #tpu.memory_space<hbm>> -> memref<16x128xf32, #tpu.memory_space<hbm>>
      tpu.wait_dma2 semaphore(%arg12 : memref<!tpu.dma_semaphore, #tpu.memory_space<semaphore_mem>>) src(%dma_wait3A_276 : memref<16x128xf32, #tpu.memory_space<hbm>>) dst(%dma_wait3A_273 : memref<16x128xf32, #tpu.memory_space<vmem>>)
      %dma_wait3A_277 = arith.constant 48 : i32
      %dma_wait3A_278 = arith.constant 0 : i32
      %dma_wait3A_279 = tpu.memref_slice %arg9[%dma_wait3A_277, %dma_wait3A_278] : memref<80x128xf32, #tpu.memory_space<vmem>> -> memref<16x128xf32, #tpu.memory_space<vmem>>
      %dma_wait3A_280 = arith.constant 0 : i32
      %dma_wait3A_281 = arith.constant 0 : i32
      %dma_wait3A_282 = tpu.memref_slice %arg2[%dma_wait3A_280, %dma_wait3A_281] : memref<10000x128xf32, #tpu.memory_space<hbm>> -> memref<16x128xf32, #tpu.memory_space<hbm>>
      %dma_wait3A_283 = arith.constant 48 : i32
      %dma_wait3A_284 = arith.constant 0 : i32
      %dma_wait3A_285 = tpu.memref_slice %arg9[%dma_wait3A_283, %dma_wait3A_284] : memref<80x128xf32, #tpu.memory_space<vmem>> -> memref<16x128xf32, #tpu.memory_space<vmem>>
      %dma_wait3A_286 = arith.constant 0 : i32
      %dma_wait3A_287 = arith.constant 0 : i32
      %dma_wait3A_288 = tpu.memref_slice %arg2[%dma_wait3A_286, %dma_wait3A_287] : memref<10000x128xf32, #tpu.memory_space<hbm>> -> memref<16x128xf32, #tpu.memory_space<hbm>>
      tpu.wait_dma2 semaphore(%arg12 : memref<!tpu.dma_semaphore, #tpu.memory_space<semaphore_mem>>) src(%dma_wait3A_288 : memref<16x128xf32, #tpu.memory_space<hbm>>) dst(%dma_wait3A_285 : memref<16x128xf32, #tpu.memory_space<vmem>>)
      %dma_wait3A_289 = arith.constant 64 : i32
      %dma_wait3A_290 = arith.constant 0 : i32
      %dma_wait3A_291 = tpu.memref_slice %arg9[%dma_wait3A_289, %dma_wait3A_290] : memref<80x128xf32, #tpu.memory_space<vmem>> -> memref<16x128xf32, #tpu.memory_space<vmem>>
      %dma_wait3A_292 = arith.constant 0 : i32
      %dma_wait3A_293 = arith.constant 0 : i32
      %dma_wait3A_294 = tpu.memref_slice %arg2[%dma_wait3A_292, %dma_wait3A_293] : memref<10000x128xf32, #tpu.memory_space<hbm>> -> memref<16x128xf32, #tpu.memory_space<hbm>>
      %dma_wait3A_295 = arith.constant 64 : i32
      %dma_wait3A_296 = arith.constant 0 : i32
      %dma_wait3A_297 = tpu.memref_slice %arg9[%dma_wait3A_295, %dma_wait3A_296] : memref<80x128xf32, #tpu.memory_space<vmem>> -> memref<16x128xf32, #tpu.memory_space<vmem>>
      %dma_wait3A_298 = arith.constant 0 : i32
      %dma_wait3A_299 = arith.constant 0 : i32
      %dma_wait3A_300 = tpu.memref_slice %arg2[%dma_wait3A_298, %dma_wait3A_299] : memref<10000x128xf32, #tpu.memory_space<hbm>> -> memref<16x128xf32, #tpu.memory_space<hbm>>
      tpu.wait_dma2 semaphore(%arg12 : memref<!tpu.dma_semaphore, #tpu.memory_space<semaphore_mem>>) src(%dma_wait3A_300 : memref<16x128xf32, #tpu.memory_space<hbm>>) dst(%dma_wait3A_297 : memref<16x128xf32, #tpu.memory_space<vmem>>)
      "tpu.region"() ({
        %run_scoped3A = tpu.sem_alloc : memref<!tpu.dma_semaphore, #tpu.memory_space<semaphore_mem>>
        %dma_start3A_434 = arith.constant 0 : i32
        %dma_start3A_435 = arith.constant 0 : i32
        %dma_start3A_436 = tpu.memref_slice %arg11[%dma_start3A_434, %dma_start3A_435] : memref<10000x128xf32, #tpu.memory_space<vmem_shared>> -> memref<10000x128xf32, #tpu.memory_space<vmem_shared>>
        tpu.enqueue_indirect_dma source(%arg9 : memref<80x128xf32, #tpu.memory_space<vmem>>) target(%dma_start3A_436 : memref<10000x128xf32, #tpu.memory_space<vmem_shared>>) offsets(%arg7 : memref<80xi32, #tpu.memory_space<vmem>>) semaphore(%run_scoped3A : memref<!tpu.dma_semaphore, #tpu.memory_space<semaphore_mem>>) {add = true}
        %dma_wait3A_437 = arith.constant 0 : i32
        %dma_wait3A_438 = arith.constant 0 : i32
        %dma_wait3A_439 = tpu.memref_slice %arg11[%dma_wait3A_437, %dma_wait3A_438] : memref<10000x128xf32, #tpu.memory_space<vmem_shared>> -> memref<10000x128xf32, #tpu.memory_space<vmem_shared>>
        tpu.wait_indirect_dma semaphore(%run_scoped3A : memref<!tpu.dma_semaphore, #tpu.memory_space<semaphore_mem>>) src(%arg9 : memref<80x128xf32, #tpu.memory_space<vmem>>) dst(%dma_wait3A_439 : memref<10000x128xf32, #tpu.memory_space<vmem_shared>>)
        tpu.yield
      }) : () -> ()
      %add3A_301 = arith.constant 2 : i32
      %add3A_302 = arith.addi %mul3A_167, %add3A_301 : i32
      %mul3A_303 = arith.constant 80 : i32
      %mul3A_304 = arith.muli %add3A_302, %mul3A_303 : i32
      %add3A_305 = arith.constant 0 : i32
      %add3A_306 = arith.addi %mul3A_304, %add3A_305 : i32
      %dma_start3A_307 = arith.constant 0 : i32
      %dma_start3A_308 = arith.constant 0 : i32
      %dma_start3A_309 = tpu.memref_slice %arg9[%dma_start3A_307, %dma_start3A_308] : memref<80x128xf32, #tpu.memory_space<vmem>> -> memref<16x128xf32, #tpu.memory_space<vmem>>
      %dma_start3A_310 = tpu.memref_slice %arg6[%add3A_306] : memref<10000xi32, #tpu.memory_space<vmem>> -> memref<16xi32, #tpu.memory_space<vmem>>
      %dma_start3A_311 = arith.constant 0 : i32
      %dma_start3A_312 = arith.constant 0 : i32
      %dma_start3A_313 = tpu.memref_slice %arg2[%dma_start3A_311, %dma_start3A_312] : memref<10000x128xf32, #tpu.memory_space<hbm>> -> memref<10000x128xf32, #tpu.memory_space<hbm>>
      tpu.enqueue_indirect_dma source(%dma_start3A_313 : memref<10000x128xf32, #tpu.memory_space<hbm>>) target(%dma_start3A_309 : memref<16x128xf32, #tpu.memory_space<vmem>>) offsets(%dma_start3A_310 : memref<16xi32, #tpu.memory_space<vmem>>) semaphore(%arg12 : memref<!tpu.dma_semaphore, #tpu.memory_space<semaphore_mem>>)
      %mul3A_314 = arith.constant 80 : i32
      %mul3A_315 = arith.muli %add3A_302, %mul3A_314 : i32
      %add3A_316 = arith.constant 16 : i32
      %add3A_317 = arith.addi %mul3A_315, %add3A_316 : i32
      %dma_start3A_318 = arith.constant 16 : i32
      %dma_start3A_319 = arith.constant 0 : i32
      %dma_start3A_320 = tpu.memref_slice %arg9[%dma_start3A_318, %dma_start3A_319] : memref<80x128xf32, #tpu.memory_space<vmem>> -> memref<16x128xf32, #tpu.memory_space<vmem>>
      %dma_start3A_321 = tpu.memref_slice %arg6[%add3A_317] : memref<10000xi32, #tpu.memory_space<vmem>> -> memref<16xi32, #tpu.memory_space<vmem>>
      %dma_start3A_322 = arith.constant 0 : i32
      %dma_start3A_323 = arith.constant 0 : i32
      %dma_start3A_324 = tpu.memref_slice %arg2[%dma_start3A_322, %dma_start3A_323] : memref<10000x128xf32, #tpu.memory_space<hbm>> -> memref<10000x128xf32, #tpu.memory_space<hbm>>
      tpu.enqueue_indirect_dma source(%dma_start3A_324 : memref<10000x128xf32, #tpu.memory_space<hbm>>) target(%dma_start3A_320 : memref<16x128xf32, #tpu.memory_space<vmem>>) offsets(%dma_start3A_321 : memref<16xi32, #tpu.memory_space<vmem>>) semaphore(%arg12 : memref<!tpu.dma_semaphore, #tpu.memory_space<semaphore_mem>>)
      %mul3A_325 = arith.constant 80 : i32
      %mul3A_326 = arith.muli %add3A_302, %mul3A_325 : i32
      %add3A_327 = arith.constant 32 : i32
      %add3A_328 = arith.addi %mul3A_326, %add3A_327 : i32
      %dma_start3A_329 = arith.constant 32 : i32
      %dma_start3A_330 = arith.constant 0 : i32
      %dma_start3A_331 = tpu.memref_slice %arg9[%dma_start3A_329, %dma_start3A_330] : memref<80x128xf32, #tpu.memory_space<vmem>> -> memref<16x128xf32, #tpu.memory_space<vmem>>
      %dma_start3A_332 = tpu.memref_slice %arg6[%add3A_328] : memref<10000xi32, #tpu.memory_space<vmem>> -> memref<16xi32, #tpu.memory_space<vmem>>
      %dma_start3A_333 = arith.constant 0 : i32
      %dma_start3A_334 = arith.constant 0 : i32
      %dma_start3A_335 = tpu.memref_slice %arg2[%dma_start3A_333, %dma_start3A_334] : memref<10000x128xf32, #tpu.memory_space<hbm>> -> memref<10000x128xf32, #tpu.memory_space<hbm>>
      tpu.enqueue_indirect_dma source(%dma_start3A_335 : memref<10000x128xf32, #tpu.memory_space<hbm>>) target(%dma_start3A_331 : memref<16x128xf32, #tpu.memory_space<vmem>>) offsets(%dma_start3A_332 : memref<16xi32, #tpu.memory_space<vmem>>) semaphore(%arg12 : memref<!tpu.dma_semaphore, #tpu.memory_space<semaphore_mem>>)
      %mul3A_336 = arith.constant 80 : i32
      %mul3A_337 = arith.muli %add3A_302, %mul3A_336 : i32
      %add3A_338 = arith.constant 48 : i32
      %add3A_339 = arith.addi %mul3A_337, %add3A_338 : i32
      %dma_start3A_340 = arith.constant 48 : i32
      %dma_start3A_341 = arith.constant 0 : i32
      %dma_start3A_342 = tpu.memref_slice %arg9[%dma_start3A_340, %dma_start3A_341] : memref<80x128xf32, #tpu.memory_space<vmem>> -> memref<16x128xf32, #tpu.memory_space<vmem>>
      %dma_start3A_343 = tpu.memref_slice %arg6[%add3A_339] : memref<10000xi32, #tpu.memory_space<vmem>> -> memref<16xi32, #tpu.memory_space<vmem>>
      %dma_start3A_344 = arith.constant 0 : i32
      %dma_start3A_345 = arith.constant 0 : i32
      %dma_start3A_346 = tpu.memref_slice %arg2[%dma_start3A_344, %dma_start3A_345] : memref<10000x128xf32, #tpu.memory_space<hbm>> -> memref<10000x128xf32, #tpu.memory_space<hbm>>
      tpu.enqueue_indirect_dma source(%dma_start3A_346 : memref<10000x128xf32, #tpu.memory_space<hbm>>) target(%dma_start3A_342 : memref<16x128xf32, #tpu.memory_space<vmem>>) offsets(%dma_start3A_343 : memref<16xi32, #tpu.memory_space<vmem>>) semaphore(%arg12 : memref<!tpu.dma_semaphore, #tpu.memory_space<semaphore_mem>>)
      %mul3A_347 = arith.constant 80 : i32
      %mul3A_348 = arith.muli %add3A_302, %mul3A_347 : i32
      %add3A_349 = arith.constant 64 : i32
      %add3A_350 = arith.addi %mul3A_348, %add3A_349 : i32
      %dma_start3A_351 = arith.constant 64 : i32
      %dma_start3A_352 = arith.constant 0 : i32
      %dma_start3A_353 = tpu.memref_slice %arg9[%dma_start3A_351, %dma_start3A_352] : memref<80x128xf32, #tpu.memory_space<vmem>> -> memref<16x128xf32, #tpu.memory_space<vmem>>
      %dma_start3A_354 = tpu.memref_slice %arg6[%add3A_350] : memref<10000xi32, #tpu.memory_space<vmem>> -> memref<16xi32, #tpu.memory_space<vmem>>
      %dma_start3A_355 = arith.constant 0 : i32
      %dma_start3A_356 = arith.constant 0 : i32
      %dma_start3A_357 = tpu.memref_slice %arg2[%dma_start3A_355, %dma_start3A_356] : memref<10000x128xf32, #tpu.memory_space<hbm>> -> memref<10000x128xf32, #tpu.memory_space<hbm>>
      tpu.enqueue_indirect_dma source(%dma_start3A_357 : memref<10000x128xf32, #tpu.memory_space<hbm>>) target(%dma_start3A_353 : memref<16x128xf32, #tpu.memory_space<vmem>>) offsets(%dma_start3A_354 : memref<16xi32, #tpu.memory_space<vmem>>) semaphore(%arg12 : memref<!tpu.dma_semaphore, #tpu.memory_space<semaphore_mem>>)
      %add3A_358 = arith.constant 2 : i32
      %add3A_359 = arith.addi %mul3A_167, %add3A_358 : i32
      %dma_start3A_360 = arith.constant 0 : i32
      %dma_start3A_361 = tpu.memref_slice %arg4[%add3A, %add3A_359, %dma_start3A_360] : memref<32x125x80xi32, #tpu.memory_space<hbm>> -> memref<1x1x80xi32, #tpu.memory_space<hbm>>
      %dma_start3A_362 = tpu.memref_squeeze %dma_start3A_361 : memref<1x1x80xi32, #tpu.memory_space<hbm>> -> memref<80xi32, #tpu.memory_space<hbm>>
      %dma_start3A_363 = arith.constant 0 : i32
      %dma_start3A_364 = tpu.memref_slice %arg4[%add3A, %add3A_359, %dma_start3A_363] : memref<32x125x80xi32, #tpu.memory_space<hbm>> -> memref<1x1x80xi32, #tpu.memory_space<hbm>>
      %dma_start3A_365 = tpu.memref_squeeze %dma_start3A_364 : memref<1x1x80xi32, #tpu.memory_space<hbm>> -> memref<80xi32, #tpu.memory_space<hbm>>
      tpu.enqueue_dma source(%dma_start3A_365 : memref<80xi32, #tpu.memory_space<hbm>>) target(%arg7 : memref<80xi32, #tpu.memory_space<vmem>>) target_semaphore(%arg14 : memref<!tpu.dma_semaphore, #tpu.memory_space<semaphore_mem>>)
      %dma_wait3A_366 = arith.constant 0 : i32
      %dma_wait3A_367 = arith.constant 0 : i32
      %dma_wait3A_368 = arith.constant 0 : i32
      %dma_wait3A_369 = tpu.memref_slice %arg4[%dma_wait3A_366, %dma_wait3A_367, %dma_wait3A_368] : memref<32x125x80xi32, #tpu.memory_space<hbm>> -> memref<1x1x80xi32, #tpu.memory_space<hbm>>
      %dma_wait3A_370 = tpu.memref_squeeze %dma_wait3A_369 : memref<1x1x80xi32, #tpu.memory_space<hbm>> -> memref<80xi32, #tpu.memory_space<hbm>>
      %dma_wait3A_371 = arith.constant 0 : i32
      %dma_wait3A_372 = tpu.memref_slice %arg4[%dma_wait3A_366, %dma_wait3A_367, %dma_wait3A_371] : memref<32x125x80xi32, #tpu.memory_space<hbm>> -> memref<1x1x80xi32, #tpu.memory_space<hbm>>
      %dma_wait3A_373 = tpu.memref_squeeze %dma_wait3A_372 : memref<1x1x80xi32, #tpu.memory_space<hbm>> -> memref<80xi32, #tpu.memory_space<hbm>>
      tpu.wait_dma2 semaphore(%arg15 : memref<!tpu.dma_semaphore, #tpu.memory_space<semaphore_mem>>) src(%dma_wait3A_373 : memref<80xi32, #tpu.memory_space<hbm>>) dst(%arg8 : memref<80xi32, #tpu.memory_space<vmem>>)
      %dma_wait3A_374 = arith.constant 0 : i32
      %dma_wait3A_375 = arith.constant 0 : i32
      %dma_wait3A_376 = tpu.memref_slice %arg10[%dma_wait3A_374, %dma_wait3A_375] : memref<80x128xf32, #tpu.memory_space<vmem>> -> memref<16x128xf32, #tpu.memory_space<vmem>>
      %dma_wait3A_377 = arith.constant 0 : i32
      %dma_wait3A_378 = arith.constant 0 : i32
      %dma_wait3A_379 = tpu.memref_slice %arg2[%dma_wait3A_377, %dma_wait3A_378] : memref<10000x128xf32, #tpu.memory_space<hbm>> -> memref<16x128xf32, #tpu.memory_space<hbm>>
      %dma_wait3A_380 = arith.constant 0 : i32
      %dma_wait3A_381 = arith.constant 0 : i32
      %dma_wait3A_382 = tpu.memref_slice %arg10[%dma_wait3A_380, %dma_wait3A_381] : memref<80x128xf32, #tpu.memory_space<vmem>> -> memref<16x128xf32, #tpu.memory_space<vmem>>
      %dma_wait3A_383 = arith.constant 0 : i32
      %dma_wait3A_384 = arith.constant 0 : i32
      %dma_wait3A_385 = tpu.memref_slice %arg2[%dma_wait3A_383, %dma_wait3A_384] : memref<10000x128xf32, #tpu.memory_space<hbm>> -> memref<16x128xf32, #tpu.memory_space<hbm>>
      tpu.wait_dma2 semaphore(%arg13 : memref<!tpu.dma_semaphore, #tpu.memory_space<semaphore_mem>>) src(%dma_wait3A_385 : memref<16x128xf32, #tpu.memory_space<hbm>>) dst(%dma_wait3A_382 : memref<16x128xf32, #tpu.memory_space<vmem>>)
      %dma_wait3A_386 = arith.constant 16 : i32
      %dma_wait3A_387 = arith.constant 0 : i32
      %dma_wait3A_388 = tpu.memref_slice %arg10[%dma_wait3A_386, %dma_wait3A_387] : memref<80x128xf32, #tpu.memory_space<vmem>> -> memref<16x128xf32, #tpu.memory_space<vmem>>
      %dma_wait3A_389 = arith.constant 0 : i32
      %dma_wait3A_390 = arith.constant 0 : i32
      %dma_wait3A_391 = tpu.memref_slice %arg2[%dma_wait3A_389, %dma_wait3A_390] : memref<10000x128xf32, #tpu.memory_space<hbm>> -> memref<16x128xf32, #tpu.memory_space<hbm>>
      %dma_wait3A_392 = arith.constant 16 : i32
      %dma_wait3A_393 = arith.constant 0 : i32
      %dma_wait3A_394 = tpu.memref_slice %arg10[%dma_wait3A_392, %dma_wait3A_393] : memref<80x128xf32, #tpu.memory_space<vmem>> -> memref<16x128xf32, #tpu.memory_space<vmem>>
      %dma_wait3A_395 = arith.constant 0 : i32
      %dma_wait3A_396 = arith.constant 0 : i32
      %dma_wait3A_397 = tpu.memref_slice %arg2[%dma_wait3A_395, %dma_wait3A_396] : memref<10000x128xf32, #tpu.memory_space<hbm>> -> memref<16x128xf32, #tpu.memory_space<hbm>>
      tpu.wait_dma2 semaphore(%arg13 : memref<!tpu.dma_semaphore, #tpu.memory_space<semaphore_mem>>) src(%dma_wait3A_397 : memref<16x128xf32, #tpu.memory_space<hbm>>) dst(%dma_wait3A_394 : memref<16x128xf32, #tpu.memory_space<vmem>>)
      %dma_wait3A_398 = arith.constant 32 : i32
      %dma_wait3A_399 = arith.constant 0 : i32
      %dma_wait3A_400 = tpu.memref_slice %arg10[%dma_wait3A_398, %dma_wait3A_399] : memref<80x128xf32, #tpu.memory_space<vmem>> -> memref<16x128xf32, #tpu.memory_space<vmem>>
      %dma_wait3A_401 = arith.constant 0 : i32
      %dma_wait3A_402 = arith.constant 0 : i32
      %dma_wait3A_403 = tpu.memref_slice %arg2[%dma_wait3A_401, %dma_wait3A_402] : memref<10000x128xf32, #tpu.memory_space<hbm>> -> memref<16x128xf32, #tpu.memory_space<hbm>>
      %dma_wait3A_404 = arith.constant 32 : i32
      %dma_wait3A_405 = arith.constant 0 : i32
      %dma_wait3A_406 = tpu.memref_slice %arg10[%dma_wait3A_404, %dma_wait3A_405] : memref<80x128xf32, #tpu.memory_space<vmem>> -> memref<16x128xf32, #tpu.memory_space<vmem>>
      %dma_wait3A_407 = arith.constant 0 : i32
      %dma_wait3A_408 = arith.constant 0 : i32
      %dma_wait3A_409 = tpu.memref_slice %arg2[%dma_wait3A_407, %dma_wait3A_408] : memref<10000x128xf32, #tpu.memory_space<hbm>> -> memref<16x128xf32, #tpu.memory_space<hbm>>
      tpu.wait_dma2 semaphore(%arg13 : memref<!tpu.dma_semaphore, #tpu.memory_space<semaphore_mem>>) src(%dma_wait3A_409 : memref<16x128xf32, #tpu.memory_space<hbm>>) dst(%dma_wait3A_406 : memref<16x128xf32, #tpu.memory_space<vmem>>)
      %dma_wait3A_410 = arith.constant 48 : i32
      %dma_wait3A_411 = arith.constant 0 : i32
      %dma_wait3A_412 = tpu.memref_slice %arg10[%dma_wait3A_410, %dma_wait3A_411] : memref<80x128xf32, #tpu.memory_space<vmem>> -> memref<16x128xf32, #tpu.memory_space<vmem>>
      %dma_wait3A_413 = arith.constant 0 : i32
      %dma_wait3A_414 = arith.constant 0 : i32
      %dma_wait3A_415 = tpu.memref_slice %arg2[%dma_wait3A_413, %dma_wait3A_414] : memref<10000x128xf32, #tpu.memory_space<hbm>> -> memref<16x128xf32, #tpu.memory_space<hbm>>
      %dma_wait3A_416 = arith.constant 48 : i32
      %dma_wait3A_417 = arith.constant 0 : i32
      %dma_wait3A_418 = tpu.memref_slice %arg10[%dma_wait3A_416, %dma_wait3A_417] : memref<80x128xf32, #tpu.memory_space<vmem>> -> memref<16x128xf32, #tpu.memory_space<vmem>>
      %dma_wait3A_419 = arith.constant 0 : i32
      %dma_wait3A_420 = arith.constant 0 : i32
      %dma_wait3A_421 = tpu.memref_slice %arg2[%dma_wait3A_419, %dma_wait3A_420] : memref<10000x128xf32, #tpu.memory_space<hbm>> -> memref<16x128xf32, #tpu.memory_space<hbm>>
      tpu.wait_dma2 semaphore(%arg13 : memref<!tpu.dma_semaphore, #tpu.memory_space<semaphore_mem>>) src(%dma_wait3A_421 : memref<16x128xf32, #tpu.memory_space<hbm>>) dst(%dma_wait3A_418 : memref<16x128xf32, #tpu.memory_space<vmem>>)
      %dma_wait3A_422 = arith.constant 64 : i32
      %dma_wait3A_423 = arith.constant 0 : i32
      %dma_wait3A_424 = tpu.memref_slice %arg10[%dma_wait3A_422, %dma_wait3A_423] : memref<80x128xf32, #tpu.memory_space<vmem>> -> memref<16x128xf32, #tpu.memory_space<vmem>>
      %dma_wait3A_425 = arith.constant 0 : i32
      %dma_wait3A_426 = arith.constant 0 : i32
      %dma_wait3A_427 = tpu.memref_slice %arg2[%dma_wait3A_425, %dma_wait3A_426] : memref<10000x128xf32, #tpu.memory_space<hbm>> -> memref<16x128xf32, #tpu.memory_space<hbm>>
      %dma_wait3A_428 = arith.constant 64 : i32
      %dma_wait3A_429 = arith.constant 0 : i32
      %dma_wait3A_430 = tpu.memref_slice %arg10[%dma_wait3A_428, %dma_wait3A_429] : memref<80x128xf32, #tpu.memory_space<vmem>> -> memref<16x128xf32, #tpu.memory_space<vmem>>
      %dma_wait3A_431 = arith.constant 0 : i32
      %dma_wait3A_432 = arith.constant 0 : i32
      %dma_wait3A_433 = tpu.memref_slice %arg2[%dma_wait3A_431, %dma_wait3A_432] : memref<10000x128xf32, #tpu.memory_space<hbm>> -> memref<16x128xf32, #tpu.memory_space<hbm>>
      tpu.wait_dma2 semaphore(%arg13 : memref<!tpu.dma_semaphore, #tpu.memory_space<semaphore_mem>>) src(%dma_wait3A_433 : memref<16x128xf32, #tpu.memory_space<hbm>>) dst(%dma_wait3A_430 : memref<16x128xf32, #tpu.memory_space<vmem>>)
      "tpu.region"() ({
        %run_scoped3A = tpu.sem_alloc : memref<!tpu.dma_semaphore, #tpu.memory_space<semaphore_mem>>
        %dma_start3A_434 = arith.constant 0 : i32
        %dma_start3A_435 = arith.constant 0 : i32
        %dma_start3A_436 = tpu.memref_slice %arg11[%dma_start3A_434, %dma_start3A_435] : memref<10000x128xf32, #tpu.memory_space<vmem_shared>> -> memref<10000x128xf32, #tpu.memory_space<vmem_shared>>
        tpu.enqueue_indirect_dma source(%arg10 : memref<80x128xf32, #tpu.memory_space<vmem>>) target(%dma_start3A_436 : memref<10000x128xf32, #tpu.memory_space<vmem_shared>>) offsets(%arg8 : memref<80xi32, #tpu.memory_space<vmem>>) semaphore(%run_scoped3A : memref<!tpu.dma_semaphore, #tpu.memory_space<semaphore_mem>>) {add = true}
        %dma_wait3A_437 = arith.constant 0 : i32
        %dma_wait3A_438 = arith.constant 0 : i32
        %dma_wait3A_439 = tpu.memref_slice %arg11[%dma_wait3A_437, %dma_wait3A_438] : memref<10000x128xf32, #tpu.memory_space<vmem_shared>> -> memref<10000x128xf32, #tpu.memory_space<vmem_shared>>
        tpu.wait_indirect_dma semaphore(%run_scoped3A : memref<!tpu.dma_semaphore, #tpu.memory_space<semaphore_mem>>) src(%arg10 : memref<80x128xf32, #tpu.memory_space<vmem>>) dst(%dma_wait3A_439 : memref<10000x128xf32, #tpu.memory_space<vmem_shared>>)
        tpu.yield
      }) : () -> ()
    }
    %scan3A_90 = arith.constant 62 : i32
    %dma_wait3A_91 = arith.constant 0 : i32
    %dma_wait3A_92 = arith.constant 0 : i32
    %dma_wait3A_93 = arith.constant 0 : i32
    %dma_wait3A_94 = tpu.memref_slice %arg4[%dma_wait3A_91, %dma_wait3A_92, %dma_wait3A_93] : memref<32x125x80xi32, #tpu.memory_space<hbm>> -> memref<1x1x80xi32, #tpu.memory_space<hbm>>
    %dma_wait3A_95 = tpu.memref_squeeze %dma_wait3A_94 : memref<1x1x80xi32, #tpu.memory_space<hbm>> -> memref<80xi32, #tpu.memory_space<hbm>>
    %dma_wait3A_96 = arith.constant 0 : i32
    %dma_wait3A_97 = tpu.memref_slice %arg4[%dma_wait3A_91, %dma_wait3A_92, %dma_wait3A_96] : memref<32x125x80xi32, #tpu.memory_space<hbm>> -> memref<1x1x80xi32, #tpu.memory_space<hbm>>
    %dma_wait3A_98 = tpu.memref_squeeze %dma_wait3A_97 : memref<1x1x80xi32, #tpu.memory_space<hbm>> -> memref<80xi32, #tpu.memory_space<hbm>>
    tpu.wait_dma2 semaphore(%arg14 : memref<!tpu.dma_semaphore, #tpu.memory_space<semaphore_mem>>) src(%dma_wait3A_98 : memref<80xi32, #tpu.memory_space<hbm>>) dst(%arg7 : memref<80xi32, #tpu.memory_space<vmem>>)
    %dma_wait3A_99 = arith.constant 0 : i32
    %dma_wait3A_100 = arith.constant 0 : i32
    %dma_wait3A_101 = tpu.memref_slice %arg9[%dma_wait3A_99, %dma_wait3A_100] : memref<80x128xf32, #tpu.memory_space<vmem>> -> memref<16x128xf32, #tpu.memory_space<vmem>>
    %dma_wait3A_102 = arith.constant 0 : i32
    %dma_wait3A_103 = arith.constant 0 : i32
    %dma_wait3A_104 = tpu.memref_slice %arg2[%dma_wait3A_102, %dma_wait3A_103] : memref<10000x128xf32, #tpu.memory_space<hbm>> -> memref<16x128xf32, #tpu.memory_space<hbm>>
    %dma_wait3A_105 = arith.constant 0 : i32
    %dma_wait3A_106 = arith.constant 0 : i32
    %dma_wait3A_107 = tpu.memref_slice %arg9[%dma_wait3A_105, %dma_wait3A_106] : memref<80x128xf32, #tpu.memory_space<vmem>> -> memref<16x128xf32, #tpu.memory_space<vmem>>
    %dma_wait3A_108 = arith.constant 0 : i32
    %dma_wait3A_109 = arith.constant 0 : i32
    %dma_wait3A_110 = tpu.memref_slice %arg2[%dma_wait3A_108, %dma_wait3A_109] : memref<10000x128xf32, #tpu.memory_space<hbm>> -> memref<16x128xf32, #tpu.memory_space<hbm>>
    tpu.wait_dma2 semaphore(%arg12 : memref<!tpu.dma_semaphore, #tpu.memory_space<semaphore_mem>>) src(%dma_wait3A_110 : memref<16x128xf32, #tpu.memory_space<hbm>>) dst(%dma_wait3A_107 : memref<16x128xf32, #tpu.memory_space<vmem>>)
    %dma_wait3A_111 = arith.constant 16 : i32
    %dma_wait3A_112 = arith.constant 0 : i32
    %dma_wait3A_113 = tpu.memref_slice %arg9[%dma_wait3A_111, %dma_wait3A_112] : memref<80x128xf32, #tpu.memory_space<vmem>> -> memref<16x128xf32, #tpu.memory_space<vmem>>
    %dma_wait3A_114 = arith.constant 0 : i32
    %dma_wait3A_115 = arith.constant 0 : i32
    %dma_wait3A_116 = tpu.memref_slice %arg2[%dma_wait3A_114, %dma_wait3A_115] : memref<10000x128xf32, #tpu.memory_space<hbm>> -> memref<16x128xf32, #tpu.memory_space<hbm>>
    %dma_wait3A_117 = arith.constant 16 : i32
    %dma_wait3A_118 = arith.constant 0 : i32
    %dma_wait3A_119 = tpu.memref_slice %arg9[%dma_wait3A_117, %dma_wait3A_118] : memref<80x128xf32, #tpu.memory_space<vmem>> -> memref<16x128xf32, #tpu.memory_space<vmem>>
    %dma_wait3A_120 = arith.constant 0 : i32
    %dma_wait3A_121 = arith.constant 0 : i32
    %dma_wait3A_122 = tpu.memref_slice %arg2[%dma_wait3A_120, %dma_wait3A_121] : memref<10000x128xf32, #tpu.memory_space<hbm>> -> memref<16x128xf32, #tpu.memory_space<hbm>>
    tpu.wait_dma2 semaphore(%arg12 : memref<!tpu.dma_semaphore, #tpu.memory_space<semaphore_mem>>) src(%dma_wait3A_122 : memref<16x128xf32, #tpu.memory_space<hbm>>) dst(%dma_wait3A_119 : memref<16x128xf32, #tpu.memory_space<vmem>>)
    %dma_wait3A_123 = arith.constant 32 : i32
    %dma_wait3A_124 = arith.constant 0 : i32
    %dma_wait3A_125 = tpu.memref_slice %arg9[%dma_wait3A_123, %dma_wait3A_124] : memref<80x128xf32, #tpu.memory_space<vmem>> -> memref<16x128xf32, #tpu.memory_space<vmem>>
    %dma_wait3A_126 = arith.constant 0 : i32
    %dma_wait3A_127 = arith.constant 0 : i32
    %dma_wait3A_128 = tpu.memref_slice %arg2[%dma_wait3A_126, %dma_wait3A_127] : memref<10000x128xf32, #tpu.memory_space<hbm>> -> memref<16x128xf32, #tpu.memory_space<hbm>>
    %dma_wait3A_129 = arith.constant 32 : i32
    %dma_wait3A_130 = arith.constant 0 : i32
    %dma_wait3A_131 = tpu.memref_slice %arg9[%dma_wait3A_129, %dma_wait3A_130] : memref<80x128xf32, #tpu.memory_space<vmem>> -> memref<16x128xf32, #tpu.memory_space<vmem>>
    %dma_wait3A_132 = arith.constant 0 : i32
    %dma_wait3A_133 = arith.constant 0 : i32
    %dma_wait3A_134 = tpu.memref_slice %arg2[%dma_wait3A_132, %dma_wait3A_133] : memref<10000x128xf32, #tpu.memory_space<hbm>> -> memref<16x128xf32, #tpu.memory_space<hbm>>
    tpu.wait_dma2 semaphore(%arg12 : memref<!tpu.dma_semaphore, #tpu.memory_space<semaphore_mem>>) src(%dma_wait3A_134 : memref<16x128xf32, #tpu.memory_space<hbm>>) dst(%dma_wait3A_131 : memref<16x128xf32, #tpu.memory_space<vmem>>)
    %dma_wait3A_135 = arith.constant 48 : i32
    %dma_wait3A_136 = arith.constant 0 : i32
    %dma_wait3A_137 = tpu.memref_slice %arg9[%dma_wait3A_135, %dma_wait3A_136] : memref<80x128xf32, #tpu.memory_space<vmem>> -> memref<16x128xf32, #tpu.memory_space<vmem>>
    %dma_wait3A_138 = arith.constant 0 : i32
    %dma_wait3A_139 = arith.constant 0 : i32
    %dma_wait3A_140 = tpu.memref_slice %arg2[%dma_wait3A_138, %dma_wait3A_139] : memref<10000x128xf32, #tpu.memory_space<hbm>> -> memref<16x128xf32, #tpu.memory_space<hbm>>
    %dma_wait3A_141 = arith.constant 48 : i32
    %dma_wait3A_142 = arith.constant 0 : i32
    %dma_wait3A_143 = tpu.memref_slice %arg9[%dma_wait3A_141, %dma_wait3A_142] : memref<80x128xf32, #tpu.memory_space<vmem>> -> memref<16x128xf32, #tpu.memory_space<vmem>>
    %dma_wait3A_144 = arith.constant 0 : i32
    %dma_wait3A_145 = arith.constant 0 : i32
    %dma_wait3A_146 = tpu.memref_slice %arg2[%dma_wait3A_144, %dma_wait3A_145] : memref<10000x128xf32, #tpu.memory_space<hbm>> -> memref<16x128xf32, #tpu.memory_space<hbm>>
    tpu.wait_dma2 semaphore(%arg12 : memref<!tpu.dma_semaphore, #tpu.memory_space<semaphore_mem>>) src(%dma_wait3A_146 : memref<16x128xf32, #tpu.memory_space<hbm>>) dst(%dma_wait3A_143 : memref<16x128xf32, #tpu.memory_space<vmem>>)
    %dma_wait3A_147 = arith.constant 64 : i32
    %dma_wait3A_148 = arith.constant 0 : i32
    %dma_wait3A_149 = tpu.memref_slice %arg9[%dma_wait3A_147, %dma_wait3A_148] : memref<80x128xf32, #tpu.memory_space<vmem>> -> memref<16x128xf32, #tpu.memory_space<vmem>>
    %dma_wait3A_150 = arith.constant 0 : i32
    %dma_wait3A_151 = arith.constant 0 : i32
    %dma_wait3A_152 = tpu.memref_slice %arg2[%dma_wait3A_150, %dma_wait3A_151] : memref<10000x128xf32, #tpu.memory_space<hbm>> -> memref<16x128xf32, #tpu.memory_space<hbm>>
    %dma_wait3A_153 = arith.constant 64 : i32
    %dma_wait3A_154 = arith.constant 0 : i32
    %dma_wait3A_155 = tpu.memref_slice %arg9[%dma_wait3A_153, %dma_wait3A_154] : memref<80x128xf32, #tpu.memory_space<vmem>> -> memref<16x128xf32, #tpu.memory_space<vmem>>
    %dma_wait3A_156 = arith.constant 0 : i32
    %dma_wait3A_157 = arith.constant 0 : i32
    %dma_wait3A_158 = tpu.memref_slice %arg2[%dma_wait3A_156, %dma_wait3A_157] : memref<10000x128xf32, #tpu.memory_space<hbm>> -> memref<16x128xf32, #tpu.memory_space<hbm>>
    tpu.wait_dma2 semaphore(%arg12 : memref<!tpu.dma_semaphore, #tpu.memory_space<semaphore_mem>>) src(%dma_wait3A_158 : memref<16x128xf32, #tpu.memory_space<hbm>>) dst(%dma_wait3A_155 : memref<16x128xf32, #tpu.memory_space<vmem>>)
    "tpu.region"() ({
      %run_scoped3A = tpu.sem_alloc : memref<!tpu.dma_semaphore, #tpu.memory_space<semaphore_mem>>
      %dma_start3A_165 = arith.constant 0 : i32
      %dma_start3A_166 = arith.constant 0 : i32
      %dma_start3A_167 = tpu.memref_slice %arg11[%dma_start3A_165, %dma_start3A_166] : memref<10000x128xf32, #tpu.memory_space<vmem_shared>> -> memref<10000x128xf32, #tpu.memory_space<vmem_shared>>
      tpu.enqueue_indirect_dma source(%arg9 : memref<80x128xf32, #tpu.memory_space<vmem>>) target(%dma_start3A_167 : memref<10000x128xf32, #tpu.memory_space<vmem_shared>>) offsets(%arg7 : memref<80xi32, #tpu.memory_space<vmem>>) semaphore(%run_scoped3A : memref<!tpu.dma_semaphore, #tpu.memory_space<semaphore_mem>>) {add = true}
      %dma_wait3A_168 = arith.constant 0 : i32
      %dma_wait3A_169 = arith.constant 0 : i32
      %dma_wait3A_170 = tpu.memref_slice %arg11[%dma_wait3A_168, %dma_wait3A_169] : memref<10000x128xf32, #tpu.memory_space<vmem_shared>> -> memref<10000x128xf32, #tpu.memory_space<vmem_shared>>
      tpu.wait_indirect_dma semaphore(%run_scoped3A : memref<!tpu.dma_semaphore, #tpu.memory_space<semaphore_mem>>) src(%arg9 : memref<80x128xf32, #tpu.memory_space<vmem>>) dst(%dma_wait3A_170 : memref<10000x128xf32, #tpu.memory_space<vmem_shared>>)
      tpu.yield
    }) : () -> ()
    %barrier3A_159 = arith.constant 0 : index
    tpu.barrier barrier_id(%barrier3A_159)
    "tpu.region"() ({
      %run_scoped3A = tpu.sem_alloc : memref<!tpu.dma_semaphore, #tpu.memory_space<semaphore_mem>>
      %dma_start3A_165 = arith.constant 0 : i32
      %dma_start3A_166 = tpu.memref_slice %arg5[%arg0, %mul3A_13, %dma_start3A_165] : memref<2x10000x128xf32, #tpu.memory_space<hbm>> -> memref<1x624x128xf32, #tpu.memory_space<hbm>>
      %dma_start3A_167 = tpu.memref_squeeze %dma_start3A_166 : memref<1x624x128xf32, #tpu.memory_space<hbm>> -> memref<624x128xf32, #tpu.memory_space<hbm>>
      %dma_start3A_168 = arith.constant 0 : i32
      %dma_start3A_169 = tpu.memref_slice %arg11[%mul3A_13, %dma_start3A_168] : memref<10000x128xf32, #tpu.memory_space<vmem_shared>> -> memref<624x128xf32, #tpu.memory_space<vmem_shared>>
      tpu.enqueue_dma source(%dma_start3A_169 : memref<624x128xf32, #tpu.memory_space<vmem_shared>>) target(%dma_start3A_167 : memref<624x128xf32, #tpu.memory_space<hbm>>) target_semaphore(%run_scoped3A : memref<!tpu.dma_semaphore, #tpu.memory_space<semaphore_mem>>)
      %dma_wait3A_170 = arith.constant 0 : i32
      %dma_wait3A_171 = tpu.memref_slice %arg5[%arg0, %mul3A_13, %dma_wait3A_170] : memref<2x10000x128xf32, #tpu.memory_space<hbm>> -> memref<1x624x128xf32, #tpu.memory_space<hbm>>
      %dma_wait3A_172 = tpu.memref_squeeze %dma_wait3A_171 : memref<1x624x128xf32, #tpu.memory_space<hbm>> -> memref<624x128xf32, #tpu.memory_space<hbm>>
      %dma_wait3A_173 = arith.constant 0 : i32
      %dma_wait3A_174 = tpu.memref_slice %arg11[%mul3A_13, %dma_wait3A_173] : memref<10000x128xf32, #tpu.memory_space<vmem_shared>> -> memref<624x128xf32, #tpu.memory_space<vmem_shared>>
      tpu.wait_dma2 semaphore(%run_scoped3A : memref<!tpu.dma_semaphore, #tpu.memory_space<semaphore_mem>>) src(%dma_wait3A_174 : memref<624x128xf32, #tpu.memory_space<vmem_shared>>) dst(%dma_wait3A_172 : memref<624x128xf32, #tpu.memory_space<hbm>>)
      tpu.yield
    }) : () -> ()
    %eq3A_160 = arith.constant 15 : i32
    %eq3A_161 = arith.cmpi eq, %arg1, %eq3A_160 : i32
    %convert_element_type3A_162 = arith.extui %eq3A_161 : i1 to i32
    %cond3A_163 = arith.constant 0 : i32
    %cond3A_164 = arith.cmpi ne, %convert_element_type3A_162, %cond3A_163 : i32
    scf.if %cond3A_164 {
      "tpu.region"() ({
        %run_scoped3A = tpu.sem_alloc : memref<!tpu.dma_semaphore, #tpu.memory_space<semaphore_mem>>
        %dma_start3A_165 = arith.constant 9984 : i32
        %dma_start3A_166 = arith.constant 0 : i32
        %dma_start3A_167 = tpu.memref_slice %arg5[%arg0, %dma_start3A_165, %dma_start3A_166] : memref<2x10000x128xf32, #tpu.memory_space<hbm>> -> memref<1x16x128xf32, #tpu.memory_space<hbm>>
        %dma_start3A_168 = tpu.memref_squeeze %dma_start3A_167 : memref<1x16x128xf32, #tpu.memory_space<hbm>> -> memref<16x128xf32, #tpu.memory_space<hbm>>
        %dma_start3A_169 = arith.constant 9984 : i32
        %dma_start3A_170 = arith.constant 0 : i32
        %dma_start3A_171 = tpu.memref_slice %arg11[%dma_start3A_169, %dma_start3A_170] : memref<10000x128xf32, #tpu.memory_space<vmem_shared>> -> memref<16x128xf32, #tpu.memory_space<vmem_shared>>
        tpu.enqueue_dma source(%dma_start3A_171 : memref<16x128xf32, #tpu.memory_space<vmem_shared>>) target(%dma_start3A_168 : memref<16x128xf32, #tpu.memory_space<hbm>>) target_semaphore(%run_scoped3A : memref<!tpu.dma_semaphore, #tpu.memory_space<semaphore_mem>>)
        %dma_wait3A_172 = arith.constant 9984 : i32
        %dma_wait3A_173 = arith.constant 0 : i32
        %dma_wait3A_174 = tpu.memref_slice %arg5[%arg0, %dma_wait3A_172, %dma_wait3A_173] : memref<2x10000x128xf32, #tpu.memory_space<hbm>> -> memref<1x16x128xf32, #tpu.memory_space<hbm>>
        %dma_wait3A_175 = tpu.memref_squeeze %dma_wait3A_174 : memref<1x16x128xf32, #tpu.memory_space<hbm>> -> memref<16x128xf32, #tpu.memory_space<hbm>>
        %dma_wait3A_176 = arith.constant 9984 : i32
        %dma_wait3A_177 = arith.constant 0 : i32
        %dma_wait3A_178 = tpu.memref_slice %arg11[%dma_wait3A_176, %dma_wait3A_177] : memref<10000x128xf32, #tpu.memory_space<vmem_shared>> -> memref<16x128xf32, #tpu.memory_space<vmem_shared>>
        tpu.wait_dma2 semaphore(%run_scoped3A : memref<!tpu.dma_semaphore, #tpu.memory_space<semaphore_mem>>) src(%dma_wait3A_178 : memref<16x128xf32, #tpu.memory_space<vmem_shared>>) dst(%dma_wait3A_175 : memref<16x128xf32, #tpu.memory_space<hbm>>)
        tpu.yield
      }) : () -> ()
    } else {
    }
    return
  }
}

#map = affine_map<(d0, d1) -> (0, 0)>
#map1 = affine_map<(d0, d1) -> (0, 0, 0)>
module attributes {stable_mosaic.version = 14 : i64} {
  func.func @_degrees(%arg0: i32, %arg1: i32, %arg2: memref<32x10000xi32, #tpu.memory_space<hbm>>, %arg3: memref<32x10000xi32, #tpu.memory_space<hbm>>, %arg4: memref<32x10000xf32, #tpu.memory_space<hbm>>, %arg5: memref<32x10000xf32, #tpu.memory_space<hbm>>, %arg6: memref<32x125x80xi32, #tpu.memory_space<hbm>>, %arg7: memref<10000xi32, #tpu.memory_space<vmem>>, %arg8: memref<10000xi32, #tpu.memory_space<vmem>>, %arg9: memref<125x80xi32, #tpu.memory_space<vmem>>, %arg10: memref<10000xf32, #tpu.memory_space<vmem>>, %arg11: memref<10000xf32, #tpu.memory_space<vmem>>) attributes {dimension_semantics = [#tpu.dimension_semantics<core_parallel>, #tpu.dimension_semantics<subcore_parallel>], iteration_bounds = array<i64: 2, 16>, scalar_prefetch = 0 : i64, scratch_operands = 5 : i64, tpu.core_type = #tpu.core_type<sc_vector_subcore>, window_params = [{transform_indices = #map}, {transform_indices = #map}, {transform_indices = #map}, {transform_indices = #map}, {transform_indices = #map1}]} {
    %mul3A = arith.constant 16 : i32
    %mul3A_0 = arith.muli %arg0, %mul3A : i32
    %add3A = arith.addi %mul3A_0, %arg1 : i32
    "tpu.region"() ({
      %run_scoped3A = tpu.sem_alloc : memref<!tpu.dma_semaphore, #tpu.memory_space<semaphore_mem>>
      %dma_start3A = arith.constant 0 : i32
      %dma_start3A_15 = tpu.memref_slice %arg2[%add3A, %dma_start3A] : memref<32x10000xi32, #tpu.memory_space<hbm>> -> memref<1x10000xi32, #tpu.memory_space<hbm>>
      %dma_start3A_16 = tpu.memref_squeeze %dma_start3A_15 : memref<1x10000xi32, #tpu.memory_space<hbm>> -> memref<10000xi32, #tpu.memory_space<hbm>>
      %dma_start3A_17 = arith.constant 0 : i32
      %dma_start3A_18 = tpu.memref_slice %arg2[%add3A, %dma_start3A_17] : memref<32x10000xi32, #tpu.memory_space<hbm>> -> memref<1x10000xi32, #tpu.memory_space<hbm>>
      %dma_start3A_19 = tpu.memref_squeeze %dma_start3A_18 : memref<1x10000xi32, #tpu.memory_space<hbm>> -> memref<10000xi32, #tpu.memory_space<hbm>>
      tpu.enqueue_dma source(%dma_start3A_19 : memref<10000xi32, #tpu.memory_space<hbm>>) target(%arg7 : memref<10000xi32, #tpu.memory_space<vmem>>) target_semaphore(%run_scoped3A : memref<!tpu.dma_semaphore, #tpu.memory_space<semaphore_mem>>)
      %dma_wait3A = arith.constant 0 : i32
      %dma_wait3A_20 = tpu.memref_slice %arg2[%add3A, %dma_wait3A] : memref<32x10000xi32, #tpu.memory_space<hbm>> -> memref<1x10000xi32, #tpu.memory_space<hbm>>
      %dma_wait3A_21 = tpu.memref_squeeze %dma_wait3A_20 : memref<1x10000xi32, #tpu.memory_space<hbm>> -> memref<10000xi32, #tpu.memory_space<hbm>>
      %dma_wait3A_22 = arith.constant 0 : i32
      %dma_wait3A_23 = tpu.memref_slice %arg2[%add3A, %dma_wait3A_22] : memref<32x10000xi32, #tpu.memory_space<hbm>> -> memref<1x10000xi32, #tpu.memory_space<hbm>>
      %dma_wait3A_24 = tpu.memref_squeeze %dma_wait3A_23 : memref<1x10000xi32, #tpu.memory_space<hbm>> -> memref<10000xi32, #tpu.memory_space<hbm>>
      tpu.wait_dma2 semaphore(%run_scoped3A : memref<!tpu.dma_semaphore, #tpu.memory_space<semaphore_mem>>) src(%dma_wait3A_24 : memref<10000xi32, #tpu.memory_space<hbm>>) dst(%arg7 : memref<10000xi32, #tpu.memory_space<vmem>>)
      tpu.yield
    }) : () -> ()
    "tpu.region"() ({
      %run_scoped3A = tpu.sem_alloc : memref<!tpu.dma_semaphore, #tpu.memory_space<semaphore_mem>>
      %dma_start3A = arith.constant 0 : i32
      %dma_start3A_15 = tpu.memref_slice %arg3[%add3A, %dma_start3A] : memref<32x10000xi32, #tpu.memory_space<hbm>> -> memref<1x10000xi32, #tpu.memory_space<hbm>>
      %dma_start3A_16 = tpu.memref_squeeze %dma_start3A_15 : memref<1x10000xi32, #tpu.memory_space<hbm>> -> memref<10000xi32, #tpu.memory_space<hbm>>
      %dma_start3A_17 = arith.constant 0 : i32
      %dma_start3A_18 = tpu.memref_slice %arg3[%add3A, %dma_start3A_17] : memref<32x10000xi32, #tpu.memory_space<hbm>> -> memref<1x10000xi32, #tpu.memory_space<hbm>>
      %dma_start3A_19 = tpu.memref_squeeze %dma_start3A_18 : memref<1x10000xi32, #tpu.memory_space<hbm>> -> memref<10000xi32, #tpu.memory_space<hbm>>
      tpu.enqueue_dma source(%dma_start3A_19 : memref<10000xi32, #tpu.memory_space<hbm>>) target(%arg8 : memref<10000xi32, #tpu.memory_space<vmem>>) target_semaphore(%run_scoped3A : memref<!tpu.dma_semaphore, #tpu.memory_space<semaphore_mem>>)
      %dma_wait3A = arith.constant 0 : i32
      %dma_wait3A_20 = tpu.memref_slice %arg3[%add3A, %dma_wait3A] : memref<32x10000xi32, #tpu.memory_space<hbm>> -> memref<1x10000xi32, #tpu.memory_space<hbm>>
      %dma_wait3A_21 = tpu.memref_squeeze %dma_wait3A_20 : memref<1x10000xi32, #tpu.memory_space<hbm>> -> memref<10000xi32, #tpu.memory_space<hbm>>
      %dma_wait3A_22 = arith.constant 0 : i32
      %dma_wait3A_23 = tpu.memref_slice %arg3[%add3A, %dma_wait3A_22] : memref<32x10000xi32, #tpu.memory_space<hbm>> -> memref<1x10000xi32, #tpu.memory_space<hbm>>
      %dma_wait3A_24 = tpu.memref_squeeze %dma_wait3A_23 : memref<1x10000xi32, #tpu.memory_space<hbm>> -> memref<10000xi32, #tpu.memory_space<hbm>>
      tpu.wait_dma2 semaphore(%run_scoped3A : memref<!tpu.dma_semaphore, #tpu.memory_space<semaphore_mem>>) src(%dma_wait3A_24 : memref<10000xi32, #tpu.memory_space<hbm>>) dst(%arg8 : memref<10000xi32, #tpu.memory_space<vmem>>)
      tpu.yield
    }) : () -> ()
    %broadcast_in_dim3A = arith.constant 0.000000e+00 : f32
    %broadcast_in_dim3A_1 = vector.broadcast %broadcast_in_dim3A : f32 to vector<16xf32>
    %scan3A = arith.constant 0 : i32
    %scan3A_2 = arith.constant 0 : i32
    %scan3A_3 = arith.constant 625 : i32
    %scan3A_4 = arith.addi %scan3A_2, %scan3A_3 : i32
    %scan3A_5 = arith.constant 1 : i32
    scf.for %scan3A_15 = %scan3A_2 to %scan3A_4 step %scan3A_5  : i32 {
      %mul3A_16 = arith.constant 16 : i32
      %mul3A_17 = arith.muli %scan3A_15, %mul3A_16 : i32
      %multiple_of3A = tpu.assume_multiple %mul3A_17, 16 : i32
      %swap3A = arith.index_cast %multiple_of3A : i32 to index
      %swap3A_18 = tpu.vector_load %arg10[%swap3A] {strides = array<i32>} : memref<10000xf32, #tpu.memory_space<vmem>>, vector<16xf32>,
      tpu.vector_store %arg10[%swap3A], %broadcast_in_dim3A_1 {strides = array<i32>} : memref<10000xf32, #tpu.memory_space<vmem>>, vector<16xf32>,
      %swap3A_19 = arith.index_cast %multiple_of3A : i32 to index
      %swap3A_20 = tpu.vector_load %arg11[%swap3A_19] {strides = array<i32>} : memref<10000xf32, #tpu.memory_space<vmem>>, vector<16xf32>,
      tpu.vector_store %arg11[%swap3A_19], %broadcast_in_dim3A_1 {strides = array<i32>} : memref<10000xf32, #tpu.memory_space<vmem>>, vector<16xf32>,
    }
    %scan3A_6 = arith.constant 625 : i32
    %broadcast_in_dim3A_7 = arith.constant 1.000000e+00 : f32
    %broadcast_in_dim3A_8 = vector.broadcast %broadcast_in_dim3A_7 : f32 to vector<16xf32>
    %scan3A_9 = arith.constant 0 : i32
    %scan3A_10 = arith.constant 0 : i32
    %scan3A_11 = arith.constant 625 : i32
    %scan3A_12 = arith.addi %scan3A_10, %scan3A_11 : i32
    %scan3A_13 = arith.constant 1 : i32
    scf.for %scan3A_15 = %scan3A_10 to %scan3A_12 step %scan3A_13  : i32 {
      %mul3A_16 = arith.constant 16 : i32
      %mul3A_17 = arith.muli %scan3A_15, %mul3A_16 : i32
      %multiple_of3A = tpu.assume_multiple %mul3A_17, 16 : i32
      %get3A = arith.index_cast %multiple_of3A : i32 to index
      %get3A_18 = tpu.vector_load %arg7[%get3A] {strides = array<i32>} : memref<10000xi32, #tpu.memory_space<vmem>>, vector<16xi32>,
      %get3A_19 = arith.index_cast %multiple_of3A : i32 to index
      %get3A_20 = tpu.vector_load %arg8[%get3A_19] {strides = array<i32>} : memref<10000xi32, #tpu.memory_space<vmem>>, vector<16xi32>,
      tpu.vector_store_idx %arg10[%get3A_18], %broadcast_in_dim3A_8 {add = true} : memref<10000xf32, #tpu.memory_space<vmem>>[vector<16xi32>], vector<16xf32>,
      tpu.vector_store_idx %arg11[%get3A_20], %broadcast_in_dim3A_8 {add = true} : memref<10000xf32, #tpu.memory_space<vmem>>[vector<16xi32>], vector<16xf32>,
      %jit3A = arith.constant 5 : i32
      %div3A = arith.divsi %scan3A_15, %jit3A : i32
      %sign3A = arith.constant 0 : i32
      %sign3A_21 = arith.cmpi sgt, %scan3A_15, %sign3A : i32
      %sign3A_22 = arith.extui %sign3A_21 : i1 to i32
      %sign3A_23 = arith.constant 0 : i32
      %sign3A_24 = arith.cmpi slt, %scan3A_15, %sign3A_23 : i32
      %sign3A_25 = arith.extui %sign3A_24 : i1 to i32
      %sign3A_26 = arith.subi %sign3A_22, %sign3A_25 : i32
      %sign3A_27 = arith.constant 0 : i32
      %sign3A_28 = arith.cmpi sgt, %jit3A, %sign3A_27 : i32
      %sign3A_29 = arith.extui %sign3A_28 : i1 to i32
      %sign3A_30 = arith.constant 0 : i32
      %sign3A_31 = arith.cmpi slt, %jit3A, %sign3A_30 : i32
      %sign3A_32 = arith.extui %sign3A_31 : i1 to i32
      %sign3A_33 = arith.subi %sign3A_29, %sign3A_32 : i32
      %ne3A = arith.cmpi ne, %sign3A_26, %sign3A_33 : i32
      %rem3A = arith.remsi %scan3A_15, %jit3A : i32
      %ne3A_34 = arith.constant 0 : i32
      %ne3A_35 = arith.cmpi ne, %rem3A, %ne3A_34 : i32
      %and3A = arith.andi %ne3A, %ne3A_35 : i1
      %sub3A = arith.constant 1 : i32
      %sub3A_36 = arith.subi %div3A, %sub3A : i32
      %select_n3A = arith.select %and3A, %sub3A_36, %div3A : i32
      %jit3A_37 = arith.constant 5 : i32
      %eq3A = arith.constant 0 : i32
      %eq3A_38 = arith.cmpi eq, %jit3A_37, %eq3A : i32
      %jit3A_39 = arith.constant 1 : i32
      %select_n3A_40 = arith.select %eq3A_38, %jit3A_39, %jit3A_37 : i32
      %rem3A_41 = arith.remsi %scan3A_15, %select_n3A_40 : i32
      %ne3A_42 = arith.constant 0 : i32
      %ne3A_43 = arith.cmpi ne, %rem3A_41, %ne3A_42 : i32
      %lt3A = arith.constant 0 : i32
      %lt3A_44 = arith.cmpi slt, %rem3A_41, %lt3A : i32
      %lt3A_45 = arith.constant 0 : i32
      %lt3A_46 = arith.cmpi slt, %select_n3A_40, %lt3A_45 : i32
      %ne3A_47 = arith.xori %lt3A_44, %lt3A_46 : i1
      %and3A_48 = arith.andi %ne3A_47, %ne3A_43 : i1
      %add3A_49 = arith.addi %rem3A_41, %select_n3A_40 : i32
      %select_n3A_50 = arith.select %and3A_48, %add3A_49, %rem3A_41 : i32
      %mul3A_51 = arith.constant 16 : i32
      %mul3A_52 = arith.muli %select_n3A_50, %mul3A_51 : i32
      %swap3A = arith.index_cast %select_n3A : i32 to index
      %swap3A_53 = arith.index_cast %mul3A_52 : i32 to index
      %swap3A_54 = tpu.vector_load %arg9[%swap3A, %swap3A_53] {strides = array<i32>} : memref<125x80xi32, #tpu.memory_space<vmem>>, vector<16xi32>,
      tpu.vector_store %arg9[%swap3A, %swap3A_53], %get3A_20 {strides = array<i32>} : memref<125x80xi32, #tpu.memory_space<vmem>>, vector<16xi32>,
    }
    %scan3A_14 = arith.constant 625 : i32
    "tpu.region"() ({
      %run_scoped3A = tpu.sem_alloc : memref<!tpu.dma_semaphore, #tpu.memory_space<semaphore_mem>>
      %dma_start3A = arith.constant 0 : i32
      %dma_start3A_15 = tpu.memref_slice %arg4[%add3A, %dma_start3A] : memref<32x10000xf32, #tpu.memory_space<hbm>> -> memref<1x10000xf32, #tpu.memory_space<hbm>>
      %dma_start3A_16 = tpu.memref_squeeze %dma_start3A_15 : memref<1x10000xf32, #tpu.memory_space<hbm>> -> memref<10000xf32, #tpu.memory_space<hbm>>
      %dma_start3A_17 = arith.constant 0 : i32
      %dma_start3A_18 = tpu.memref_slice %arg4[%add3A, %dma_start3A_17] : memref<32x10000xf32, #tpu.memory_space<hbm>> -> memref<1x10000xf32, #tpu.memory_space<hbm>>
      %dma_start3A_19 = tpu.memref_squeeze %dma_start3A_18 : memref<1x10000xf32, #tpu.memory_space<hbm>> -> memref<10000xf32, #tpu.memory_space<hbm>>
      tpu.enqueue_dma source(%arg10 : memref<10000xf32, #tpu.memory_space<vmem>>) target(%dma_start3A_19 : memref<10000xf32, #tpu.memory_space<hbm>>) target_semaphore(%run_scoped3A : memref<!tpu.dma_semaphore, #tpu.memory_space<semaphore_mem>>)
      %dma_wait3A = arith.constant 0 : i32
      %dma_wait3A_20 = tpu.memref_slice %arg4[%add3A, %dma_wait3A] : memref<32x10000xf32, #tpu.memory_space<hbm>> -> memref<1x10000xf32, #tpu.memory_space<hbm>>
      %dma_wait3A_21 = tpu.memref_squeeze %dma_wait3A_20 : memref<1x10000xf32, #tpu.memory_space<hbm>> -> memref<10000xf32, #tpu.memory_space<hbm>>
      %dma_wait3A_22 = arith.constant 0 : i32
      %dma_wait3A_23 = tpu.memref_slice %arg4[%add3A, %dma_wait3A_22] : memref<32x10000xf32, #tpu.memory_space<hbm>> -> memref<1x10000xf32, #tpu.memory_space<hbm>>
      %dma_wait3A_24 = tpu.memref_squeeze %dma_wait3A_23 : memref<1x10000xf32, #tpu.memory_space<hbm>> -> memref<10000xf32, #tpu.memory_space<hbm>>
      tpu.wait_dma2 semaphore(%run_scoped3A : memref<!tpu.dma_semaphore, #tpu.memory_space<semaphore_mem>>) src(%arg10 : memref<10000xf32, #tpu.memory_space<vmem>>) dst(%dma_wait3A_24 : memref<10000xf32, #tpu.memory_space<hbm>>)
      tpu.yield
    }) : () -> ()
    "tpu.region"() ({
      %run_scoped3A = tpu.sem_alloc : memref<!tpu.dma_semaphore, #tpu.memory_space<semaphore_mem>>
      %dma_start3A = arith.constant 0 : i32
      %dma_start3A_15 = tpu.memref_slice %arg5[%add3A, %dma_start3A] : memref<32x10000xf32, #tpu.memory_space<hbm>> -> memref<1x10000xf32, #tpu.memory_space<hbm>>
      %dma_start3A_16 = tpu.memref_squeeze %dma_start3A_15 : memref<1x10000xf32, #tpu.memory_space<hbm>> -> memref<10000xf32, #tpu.memory_space<hbm>>
      %dma_start3A_17 = arith.constant 0 : i32
      %dma_start3A_18 = tpu.memref_slice %arg5[%add3A, %dma_start3A_17] : memref<32x10000xf32, #tpu.memory_space<hbm>> -> memref<1x10000xf32, #tpu.memory_space<hbm>>
      %dma_start3A_19 = tpu.memref_squeeze %dma_start3A_18 : memref<1x10000xf32, #tpu.memory_space<hbm>> -> memref<10000xf32, #tpu.memory_space<hbm>>
      tpu.enqueue_dma source(%arg11 : memref<10000xf32, #tpu.memory_space<vmem>>) target(%dma_start3A_19 : memref<10000xf32, #tpu.memory_space<hbm>>) target_semaphore(%run_scoped3A : memref<!tpu.dma_semaphore, #tpu.memory_space<semaphore_mem>>)
      %dma_wait3A = arith.constant 0 : i32
      %dma_wait3A_20 = tpu.memref_slice %arg5[%add3A, %dma_wait3A] : memref<32x10000xf32, #tpu.memory_space<hbm>> -> memref<1x10000xf32, #tpu.memory_space<hbm>>
      %dma_wait3A_21 = tpu.memref_squeeze %dma_wait3A_20 : memref<1x10000xf32, #tpu.memory_space<hbm>> -> memref<10000xf32, #tpu.memory_space<hbm>>
      %dma_wait3A_22 = arith.constant 0 : i32
      %dma_wait3A_23 = tpu.memref_slice %arg5[%add3A, %dma_wait3A_22] : memref<32x10000xf32, #tpu.memory_space<hbm>> -> memref<1x10000xf32, #tpu.memory_space<hbm>>
      %dma_wait3A_24 = tpu.memref_squeeze %dma_wait3A_23 : memref<1x10000xf32, #tpu.memory_space<hbm>> -> memref<10000xf32, #tpu.memory_space<hbm>>
      tpu.wait_dma2 semaphore(%run_scoped3A : memref<!tpu.dma_semaphore, #tpu.memory_space<semaphore_mem>>) src(%arg11 : memref<10000xf32, #tpu.memory_space<vmem>>) dst(%dma_wait3A_24 : memref<10000xf32, #tpu.memory_space<hbm>>)
      tpu.yield
    }) : () -> ()
    "tpu.region"() ({
      %run_scoped3A = tpu.sem_alloc : memref<!tpu.dma_semaphore, #tpu.memory_space<semaphore_mem>>
      %dma_start3A = arith.constant 0 : i32
      %dma_start3A_15 = arith.constant 0 : i32
      %dma_start3A_16 = tpu.memref_slice %arg6[%add3A, %dma_start3A, %dma_start3A_15] : memref<32x125x80xi32, #tpu.memory_space<hbm>> -> memref<1x125x80xi32, #tpu.memory_space<hbm>>
      %dma_start3A_17 = tpu.memref_squeeze %dma_start3A_16 : memref<1x125x80xi32, #tpu.memory_space<hbm>> -> memref<125x80xi32, #tpu.memory_space<hbm>>
      %dma_start3A_18 = arith.constant 0 : i32
      %dma_start3A_19 = arith.constant 0 : i32
      %dma_start3A_20 = tpu.memref_slice %arg6[%add3A, %dma_start3A_18, %dma_start3A_19] : memref<32x125x80xi32, #tpu.memory_space<hbm>> -> memref<1x125x80xi32, #tpu.memory_space<hbm>>
      %dma_start3A_21 = tpu.memref_squeeze %dma_start3A_20 : memref<1x125x80xi32, #tpu.memory_space<hbm>> -> memref<125x80xi32, #tpu.memory_space<hbm>>
      tpu.enqueue_dma source(%arg9 : memref<125x80xi32, #tpu.memory_space<vmem>>) target(%dma_start3A_21 : memref<125x80xi32, #tpu.memory_space<hbm>>) target_semaphore(%run_scoped3A : memref<!tpu.dma_semaphore, #tpu.memory_space<semaphore_mem>>)
      %dma_wait3A = arith.constant 0 : i32
      %dma_wait3A_22 = arith.constant 0 : i32
      %dma_wait3A_23 = tpu.memref_slice %arg6[%add3A, %dma_wait3A, %dma_wait3A_22] : memref<32x125x80xi32, #tpu.memory_space<hbm>> -> memref<1x125x80xi32, #tpu.memory_space<hbm>>
      %dma_wait3A_24 = tpu.memref_squeeze %dma_wait3A_23 : memref<1x125x80xi32, #tpu.memory_space<hbm>> -> memref<125x80xi32, #tpu.memory_space<hbm>>
      %dma_wait3A_25 = arith.constant 0 : i32
      %dma_wait3A_26 = arith.constant 0 : i32
      %dma_wait3A_27 = tpu.memref_slice %arg6[%add3A, %dma_wait3A_25, %dma_wait3A_26] : memref<32x125x80xi32, #tpu.memory_space<hbm>> -> memref<1x125x80xi32, #tpu.memory_space<hbm>>
      %dma_wait3A_28 = tpu.memref_squeeze %dma_wait3A_27 : memref<1x125x80xi32, #tpu.memory_space<hbm>> -> memref<125x80xi32, #tpu.memory_space<hbm>>
      tpu.wait_dma2 semaphore(%run_scoped3A : memref<!tpu.dma_semaphore, #tpu.memory_space<semaphore_mem>>) src(%arg9 : memref<125x80xi32, #tpu.memory_space<vmem>>) dst(%dma_wait3A_28 : memref<125x80xi32, #tpu.memory_space<hbm>>)
      tpu.yield
    }) : () -> ()
    return
  }
}

module attributes {stable_mosaic.version = 14 : i64} {
  func.func @_mm_body(%arg0: memref<32x10000xf32, #tpu.memory_space<vmem>>, %arg1: memref<10000x128xf32, #tpu.memory_space<vmem>>, %arg2: memref<128x128xf32, #tpu.memory_space<vmem>>, %arg3: memref<10000x128xf32, #tpu.memory_space<vmem>>) attributes {dimension_semantics = [], scalar_prefetch = 0 : i64, scratch_operands = 0 : i64, tpu.core_type = #tpu.core_type<tc>} {
    %get3A = arith.constant 0 : index
    %get3A_0 = arith.constant 0 : index
    %get3A_1 = vector.load %arg0[%get3A, %get3A_0] : memref<32x10000xf32, #tpu.memory_space<vmem>>, vector<32x10000xf32>
    %reduce_sum3A = arith.constant dense<0.000000e+00> : vector<10000xf32>
    %reduce_sum3A_2 = vector.multi_reduction <add>, %get3A_1, %reduce_sum3A [0] : vector<32x10000xf32> to vector<10000xf32>
    %max3A = arith.constant 1.000000e+00 : f32
    %max3A_3 = vector.broadcast %max3A : f32 to vector<10000xf32>
    %max3A_4 = arith.maximumf %reduce_sum3A_2, %max3A_3 : vector<10000xf32>
    %rsqrt3A = math.rsqrt %max3A_4 : vector<10000xf32>
    %get3A_5 = arith.constant 0 : index
    %get3A_6 = arith.constant 0 : index
    %get3A_7 = vector.load %arg1[%get3A_5, %get3A_6] : memref<10000x128xf32, #tpu.memory_space<vmem>>, vector<10000x128xf32>
    %broadcast_in_dim3A = vector.shape_cast %rsqrt3A : vector<10000xf32> to vector<10000x1xf32>
    %mul3A = vector.broadcast %broadcast_in_dim3A : vector<10000x1xf32> to vector<10000x128xf32>
    %mul3A_8 = arith.mulf %get3A_7, %mul3A : vector<10000x128xf32>
    %get3A_9 = arith.constant 0 : index
    %get3A_10 = arith.constant 0 : index
    %get3A_11 = vector.load %arg2[%get3A_9, %get3A_10] : memref<128x128xf32, #tpu.memory_space<vmem>>, vector<128x128xf32>
    %dot_general3A = arith.constant dense<0.000000e+00> : vector<10000x128xf32>
    %dot_general3A_12 = tpu.matmul %mul3A_8, %get3A_11, %dot_general3A {dimension_numbers = #tpu.dot_dimension_numbers<[1], [0], [0], [1], [0, 0, 1, 1], [], []>, transpose_lhs_hint = false} : vector<10000x128xf32>, vector<128x128xf32>, vector<10000x128xf32> -> vector<10000x128xf32>
    %swap3A = arith.constant 0 : index
    %swap3A_13 = arith.constant 0 : index
    %swap3A_14 = vector.load %arg3[%swap3A, %swap3A_13] : memref<10000x128xf32, #tpu.memory_space<vmem>>, vector<10000x128xf32>
    tpu.vector_store %arg3[%swap3A, %swap3A_13], %dot_general3A_12 {strides = array<i32>} : memref<10000x128xf32, #tpu.memory_space<vmem>>, vector<10000x128xf32>,
    return
  }
}

module attributes {stable_mosaic.version = 14 : i64} {
  func.func @_fin_body(%arg0: i32, %arg1: memref<2x2000x128xf32, #tpu.memory_space<vmem>>, %arg2: memref<2000x32xf32, #tpu.memory_space<vmem>>, %arg3: memref<2000x128xf32, #tpu.memory_space<vmem>>) attributes {dimension_semantics = [#tpu.dimension_semantics<arbitrary>], iteration_bounds = array<i64: 5>, scalar_prefetch = 0 : i64, scratch_operands = 0 : i64, tpu.core_type = #tpu.core_type<tc>, window_params = [{transform_indices = @transform_0, window_bounds = array<i64: 2, 2000, 128>}, {transform_indices = @transform_1, window_bounds = array<i64: 2000, 32>}, {transform_indices = @transform_2, window_bounds = array<i64: 2000, 128>}]} {
    %get3A = arith.constant 0 : index
    %get3A_0 = arith.constant 0 : index
    %get3A_1 = vector.load %arg2[%get3A, %get3A_0] : memref<2000x32xf32, #tpu.memory_space<vmem>>, vector<2000x32xf32>
    %reduce_sum3A = arith.constant dense<0.000000e+00> : vector<2000xf32>
    %reduce_sum3A_2 = vector.multi_reduction <add>, %get3A_1, %reduce_sum3A [1] : vector<2000x32xf32> to vector<2000xf32>
    %max3A = arith.constant 1.000000e+00 : f32
    %max3A_3 = vector.broadcast %max3A : f32 to vector<2000xf32>
    %max3A_4 = arith.maximumf %reduce_sum3A_2, %max3A_3 : vector<2000xf32>
    %rsqrt3A = math.rsqrt %max3A_4 : vector<2000xf32>
    %get3A_5 = arith.constant 0 : index
    %get3A_6 = arith.constant 0 : index
    %get3A_7 = arith.constant 0 : index
    %get3A_8 = vector.load %arg1[%get3A_5, %get3A_6, %get3A_7] : memref<2x2000x128xf32, #tpu.memory_space<vmem>>, vector<1x2000x128xf32>
    %get3A_9 = vector.shape_cast %get3A_8 : vector<1x2000x128xf32> to vector<2000x128xf32>
    %get3A_10 = arith.constant 1 : index
    %get3A_11 = arith.constant 0 : index
    %get3A_12 = arith.constant 0 : index
    %get3A_13 = vector.load %arg1[%get3A_10, %get3A_11, %get3A_12] : memref<2x2000x128xf32, #tpu.memory_space<vmem>>, vector<1x2000x128xf32>
    %get3A_14 = vector.shape_cast %get3A_13 : vector<1x2000x128xf32> to vector<2000x128xf32>
    %add3A = arith.addf %get3A_9, %get3A_14 : vector<2000x128xf32>
    %broadcast_in_dim3A = vector.shape_cast %rsqrt3A : vector<2000xf32> to vector<2000x1xf32>
    %mul3A = vector.broadcast %broadcast_in_dim3A : vector<2000x1xf32> to vector<2000x128xf32>
    %mul3A_15 = arith.mulf %add3A, %mul3A : vector<2000x128xf32>
    %max3A_16 = arith.constant 0.000000e+00 : f32
    %max3A_17 = vector.broadcast %max3A_16 : f32 to vector<2000x128xf32>
    %max3A_18 = arith.maximumf %mul3A_15, %max3A_17 : vector<2000x128xf32>
    %swap3A = arith.constant 0 : index
    %swap3A_19 = arith.constant 0 : index
    %swap3A_20 = vector.load %arg3[%swap3A, %swap3A_19] : memref<2000x128xf32, #tpu.memory_space<vmem>>, vector<2000x128xf32>
    tpu.vector_store %arg3[%swap3A, %swap3A_19], %max3A_18 {strides = array<i32>} : memref<2000x128xf32, #tpu.memory_space<vmem>>, vector<2000x128xf32>,
    return
  }
  func.func @transform_0(%arg0: i32) -> (i32, i32, i32) {
    %c0_i32 = arith.constant 0 : i32
    %c0_i32_0 = arith.constant 0 : i32
    %c0_i32_1 = arith.constant 0 : i32
    return %c0_i32, %arg0, %c0_i32_0 : i32, i32, i32
  }
  func.func @transform_1(%arg0: i32) -> (i32, i32) {
    %c0_i32 = arith.constant 0 : i32
    %c0_i32_0 = arith.constant 0 : i32
    return %arg0, %c0_i32 : i32, i32
  }
  func.func @transform_2(%arg0: i32) -> (i32, i32) {
    %c0_i32 = arith.constant 0 : i32
    %c0_i32_0 = arith.constant 0 : i32
    return %arg0, %c0_i32 : i32, i32
  }
}

</mosaic_0001>

<sc_bundles>
// kernel: kernel.6.cloned.1.call-start
scs
__scs_entry_jumppad:
0x0: {  	(pc) =	sbr.rel $0x88, $3  }
0x1: {  	(tag) =	ssettag $0x0;
	lr =	simm.s32 $0x1  }
0x2: {  	[smem:$0x3F9E] =	sst lr;
	_ =	strace $0xD0000000  }
0x3: {  	_ = 	snop  }
0x4: {  	_ = 	snop  }
0x5: {  	_ = 	snop  }
0x6: {  	_ = 	snop  }
0x7: {  	_ = 	snop  }
__scs_overlays_trampoline_lowered:
0x8: {  	[smem:$0x3FAD] =	sst s0  }
0x9: {  	[smem:$0x3FAE] =	sst s1  }
0xa: {  	[smem:$0x3FAF] =	sst s2  }
0xb: {  	[smem:$0x3FB0] =	sst s3  }
0xc: {  	[smem:$0x3FB1] =	sst s4  }
0xd: {  	[smem:$0x3FB2] =	sst s5  }
0xe: {  	[smem:$0x3FB3] =	sst s6  }
0xf: {  	[smem:$0x3FB4] =	sst s7  }
0x10: {  	[smem:$0x3FB5] =	sst s8  }
0x11: {  	[smem:$0x3FB6] =	sst s9;
	s0 =	simm.s32 @!p0 $0x0  }
0x12: {  	s1 =	sld [smem:$0x3F9C];
	s0 =	simm.s32 @p0 $0x1  }
0x13: {  	[smem:$0x3FB7] =	sst s0;
	s0 =	simm.s32 @!p1 $0x0  }
0x14: {  	s2 =	sld [smem:$0x3F9B];
	s0 =	simm.s32 @p1 $0x1  }
0x15: {  	[smem:$0x3FB8] =	sst s0;
	s0 =	simm.s32 @!p2 $0x0  }
0x16: {  	s3 =	sld [smem:$0x3FDB];
	s0 =	simm.s32 @p2 $0x1  }
0x17: {  	s4 =	simm.s32 $0x1BF5;
	[smem:$0x3FBA] =	sst s0  }
0x18: {  	s0 =	sld [smem:$0x3F9D];
	_ =	swait.ge [sflag:s4], $0x0  }
0x19: {  	s7 =	sld [smem:$0x3F9E]  }
0x1a: {  	s8 =	sadd.s32 $0xFFFFE003, lr  }
0x1b: {  	s9 =	sadd.s32 $0xFFFFFEF7, lr;
	s5 =	simm.s32 $0xFFFFFFFF;
	p2 =	slt.u32 s8, $0xFFFFF086  }
0x1c: {  	p1 =	slt.u32 s9, $0xF7A;
	s5 =	simm.s32 @!p2 $0x0  }
0x1d: {  	s5 =	simm.s32 @p1 $0x1;
	p0 =	seq.s32 s7, s2  }
0x1e: {  	s7 =	smul.u32 @!p0 $0xF7A, s2;
	p2 =	seq.s32 @!p0 s5, $0x0  }
0x1f: {  	s9 =	smul.u32 $0xF7A, s1;
	s8 =	simm.s32 @!p0 $0x1BF5;
	p2 =	por !p2, p0  }
0x20: {  	[sflag:s8] =	ssyncset.s32 @!p0 $0xFFFFF086;
	s6 =	sadd.s32 @!p0 s3, s7;
	s7 =	simm.s32 @!p0 $0x108  }
0x21: {  	s3 =	sadd.s32 s3, s9;
	s6 =	sadd.s32 @!p0 $0x88, s6;
	s7 =	simm.s32 @p2 $0x1082  }
0x22: {  	[simem:s7], [sflag:s8] =	dma.local @!p0 [hbm:s6], $0xF7A  }
0x23: {  	s9 =	sor.u32 $0xD0000000, s2;
	s6 =	simm.s32 $0x108;
	_ =	swait.ge @!p0 [sflag:s8], $0x0  }
0x24: {  	s3 =	sadd.s32 $0x88, s3;
	s6 =	simm.s32 @!p1 $0x1082;
	[sflag:s4] =	ssyncset.s32 $0xFFFFF086  }
0x25: {  	[simem:s6], [sflag:s4] =	dma.local [hbm:s3], $0xF7A  }
0x26: {  	[smem:$0x3F9E] =	sst s1;
	(tag) =	ssettag s2;
	_ =	strace s9  }
0x27: {  	s1 =	sld [smem:$0x3FAE]  }
0x28: {  	s2 =	sld [smem:$0x3FAF]  }
0x29: {  	s4 =	sld [smem:$0x3FB1]  }
0x2a: {  	p0 =	seq.s32 s5, $0x0;
	s5 =	sld [smem:$0x3FB2]  }
0x2b: {  	s6 =	sld [smem:$0x3FB3]  }
0x2c: {  	s7 =	sld [smem:$0x3FB4]  }
0x2d: {  	s3 =	simm.s32 $0x108;
	s8 =	sld [smem:$0x3FB5]  }
0x2e: {  	s3 =	simm.s32 @!p0 $0x1082;
	s9 =	sld [smem:$0x3FB6]  }
0x2f: {  	lr =	sadd.s32 s0, s3;
	s0 =	sld [smem:$0x3FAD]  }
0x30: {  	s3 =	sld [smem:$0x3FB0]  }
0x31: {  	[smem:$0x3FB9] =	sst s10  }
0x32: {  	s10 =	sld [smem:$0x3FB7];
	_ =	sdelay $0x3  }
0x33: {  	p0 =	seq.s32 s10, $0x1;
	s10 =	sld [smem:$0x3FB9];
	_ =	sdelay $0x3  }
0x34: {  	[smem:$0x3FB9] =	sst s10  }
0x35: {  	s10 =	sld [smem:$0x3FB8];
	_ =	sdelay $0x3  }
0x36: {  	p1 =	seq.s32 s10, $0x1;
	s10 =	sld [smem:$0x3FB9];
	_ =	sdelay $0x3  }
0x37: {  	[smem:$0x3FB9] =	sst s10  }
0x38: {  	s10 =	sld [smem:$0x3FBA]  }
0x39: {  	_ = 	snop;
	(pc) =	sbr.ind lr, $3  }
0x3a: {  	_ = 	snop  }
0x3b: {  	_ = 	snop  }
0x3c: {  	p2 =	seq.s32 s10, $0x1;
	s10 =	sld [smem:$0x3FB9]  }
0x3d: {  	_ =	shalt  }
0x3e: {  	_ =	shalt  }
0x3f: {  	_ =	shalt  }
0x40: {  	_ =	shalt  }
0x41: {  	_ =	shalt  }
0x42: {  	_ =	shalt  }
0x43: {  	_ =	shalt  }
0x44: {  	_ =	shalt  }
0x45: {  	_ =	shalt  }
0x46: {  	_ =	shalt  }
0x47: {  	_ =	shalt  }
0x48: {  	_ =	shalt  }
0x49: {  	_ =	shalt  }
0x4a: {  	_ =	shalt  }
0x4b: {  	_ =	shalt  }
0x4c: {  	_ =	shalt  }
0x4d: {  	_ =	shalt  }
0x4e: {  	_ =	shalt  }
0x4f: {  	_ =	shalt  }
0x50: {  	_ =	shalt  }
0x51: {  	_ =	shalt  }
0x52: {  	_ =	shalt  }
0x53: {  	_ =	shalt  }
0x54: {  	_ =	shalt  }
0x55: {  	_ =	shalt  }
0x56: {  	_ =	shalt  }
0x57: {  	_ =	shalt  }
0x58: {  	_ =	shalt  }
0x59: {  	_ =	shalt  }
0x5a: {  	_ =	shalt  }
0x5b: {  	_ =	shalt  }
0x5c: {  	_ =	shalt  }
0x5d: {  	_ =	shalt  }
0x5e: {  	_ =	shalt  }
0x5f: {  	_ =	shalt  }
0x60: {  	_ =	shalt  }
0x61: {  	_ =	shalt  }
0x62: {  	_ =	shalt  }
0x63: {  	_ =	shalt  }
0x64: {  	_ =	shalt  }
0x65: {  	_ =	shalt  }
0x66: {  	_ =	shalt  }
0x67: {  	_ =	shalt  }
0x68: {  	_ =	shalt  }
0x69: {  	_ =	shalt  }
0x6a: {  	_ =	shalt  }
0x6b: {  	_ =	shalt  }
0x6c: {  	_ =	shalt  }
0x6d: {  	_ =	shalt  }
0x6e: {  	_ =	shalt  }
0x6f: {  	_ =	shalt  }
0x70: {  	_ =	shalt  }
0x71: {  	_ =	shalt  }
0x72: {  	_ =	shalt  }
0x73: {  	_ =	shalt  }
0x74: {  	_ =	shalt  }
0x75: {  	_ =	shalt  }
0x76: {  	_ =	shalt  }
0x77: {  	_ =	shalt  }
0x78: {  	_ =	shalt  }
0x79: {  	_ =	shalt  }
0x7a: {  	_ =	shalt  }
0x7b: {  	_ =	shalt  }
0x7c: {  	_ =	shalt  }
0x7d: {  	_ =	shalt  }
0x7e: {  	_ =	shalt  }
0x7f: {  	_ =	shalt  }
0x80: {  	_ =	shalt  }
0x81: {  	_ =	shalt  }
0x82: {  	_ =	shalt  }
0x83: {  	_ =	shalt  }
0x84: {  	_ =	shalt  }
0x85: {  	_ =	shalt  }
0x86: {  	_ =	shalt  }
0x87: {  	_ =	shalt  }
.Lfunc_end0:
.L_simem_size_0:
called_computation_lowered:
.L_overlay_start_0:
0x88: {  	s2 =	sld [smem:$0x3FD9]  }
0x89: {  	s3 =	sld [smem:$0x3FFE];
	_ =	sdelay $0x1  }
0x8a: {  	s1 =	srdreg.scid  }
0x8b: {  	s0 =	sand.u32 $0x1, s1  }
0x8c: {  	s17 =	sshll.u32 s0, $0xA;
	s2 =	sadd.s32 s3, s2  }
0x8d: {  	s2 =	sadd.s32 s2, s17  }
0x8e: {  	[smem:$0x3FC5] =	sst s2  }
0x8f: {  	_ = 	snop  }
0x90: {  	s2 =	sld [smem:$0x3FD0];
	(tm) =	ssettm $0x1  }
0x91: {  	s18 =	sld [smem:$0x3FFB];
	_ =	sdelay $0x3  }
0x92: {  	_ =	strace s18  }
0x93: {  	s3 =	sld [smem:$0x3FFC];
	_ =	sdelay $0x3  }
0x94: {  	_ =	strace s3  }
0x95: {  	s3 =	sld [smem:$0x3FFD];
	_ =	sdelay $0x3  }
0x96: {  	_ =	strace s3  }
0x97: {  	_ =	strace $0x8FFFFFFF  }
0x98: {  	s19 =	sld [smem:$0x3FDB];
	_ =	sdelay $0x1  }
0x99: {  	s4 =	simm.s32 $_scs_section_size  }
0x9a: {  	s5 =	simm.s32 $_size__tile_overlayer_lowered;
	s6 =	simm.s32 $_tile_overlayer_lowered  }
0x9b: {  	s22 =	simm.s32 $0x1BFF;
	s21 =	sshll.u32 s6, $0x1;
	s3 =	sadd.s32 s4, s19  }
0x9c: {  	s7 =	simm.s32 $0x0;
	s20 =	sshll.u32 s5, $0x1;
	s5 =	sadd.s32 s21, s3  }
0x9d: {  	[timem:s7], [sflag:s22] =	dma.local [hbm:s5], s20  }
0x9e: {  	_ =	swait.ge [sflag:s22], s20  }
0x9f: {  	s4 =	ssub.s32 $0x0, s20;
	[sflag:s22] =	ssyncset.done $0x0  }
0xa0: {  	[sflag:s22] =	ssyncadd.s32 s4;
	_ =	sdelay $0x1  }
0xa1: {  	s23 =	simm.s32 $0x1B8B  }
0xa2: {  	_ =	swait.ge [sflag:s23], $0x1  }
0xa3: {  	[sflag:s23] =	ssyncset.done $0x0  }
0xa4: {  	s25 =	simm.s32 $0x1B8E;
	s24 =	sld [smem:$0x3FFE];
	[sflag:s23] =	ssyncadd.s32 $0xFFFFFFFF  }
0xa5: {  	s26 =	simm.s32 $execute0_lowered;
	[smem:$0x3FD2] =	sst s25  }
0xa6: {  	s5 =	sshll.u32 s26, $0x1;
	_ =	strace $0x80000046;
	[dreg:$0x1] =	wrdreg $0xFFFFFFFF  }
0xa7: {  	s28 =	simm.s32 $_size_execute0_lowered;
	s3 =	sadd.s32 s3, s5;
	[dreg:$0x0] =	wrdreg $0x0  }
0xa8: {  	s5 =	sshll.u32 s28, $0x1;
	[dreg:$0x2] =	wrdreg s3  }
0xa9: {  	[dreg:$0x3] =	wrdreg s5  }
0xaa: {  	[dreg:$0x4] =	wrdreg $0xC0  }
0xab: {  	_ =	task [dreg:s7], $0x5FFFF  }
0xac: {  	[dreg:$0x1] =	wrdreg $0xFFFFFFFF  }
0xad: {  	[dreg:$0x0] =	wrdreg $0x60  }
0xae: {  	[dreg:$0x2] =	wrdreg s24  }
0xaf: {  	[dreg:$0x3] =	wrdreg s2  }
0xb0: {  	[dreg:$0x4] =	wrdreg $0x9  }
0xb1: {  	_ =	task.clear_ibuf [dreg:s7], $0x5FFFF;
	_ =	strace $0x90000046  }
0xb2: {  	s29 =	simm.s32 $0x9;
	_ =	strace $0x80000048  }
0xb3: {  	_ =	swait.ge [sflag:s29], $0x1  }
0xb4: {  	[sflag:s29] =	ssyncadd.s32 $0xFFFFFFFF  }
0xb5: {  	_ =	strace $0x90000048  }
0xb6: {  	_ =	sfence  }
0xb7: {  	s30 =	sld [smem:$0x0];
	_ =	sdelay $0x2  }
0xb8: {  	s31 =	sshll.u32 s1, $0xD;
	s1 =	sshrl.u32 s1, $0x2  }
0xb9: {  	s3 =	sand.u32 $0x4000, s31;
	s1 =	sadd.s32 s1, s30  }
0xba: {  	s0 =	sor.u32 s3, s0;
	s1 =	sshll.u32 s1, $0x11  }
0xbb: {  	s0 =	sor.u32 s1, s0  }
0xbc: {  	s0 =	sadd.s32 $0x8F2B, s0  }
0xbd: {  	[sflag:s0] =	ssyncadd.remote.s32 $0x1  }
0xbe: {  	_ =	sfence.sel $0xFFFF  }
0xbf: {  	[dreg:$0x0] =	wrdreg $0xFFFFFFFF;
	(pc) =	sbr.abs _section_cstart, $3  }
0xc0: {  	[dreg:$0x1] =	wrdreg $0xFFFFFFFF  }
0xc1: {  	_ =	task.clear_ibuf [dreg:s7], $0x2FFFF;
	_ =	strace $0x9FFFFFFF  }
0xc2: {  	(tm) =	ssettm $0x7FFFFFFF  }
0xc3: {  	_ =	shalt  }
tec
execute0_lowered:
.L_overlay_start_1:
0x0: {  	(tag) =	ssettag $0x1  }
0x1: {  	s4 =	rddreg [dreg:$0x0]  }
0x2: {  	s0 =	srdreg.scid;
	s5 =	rddreg [dreg:$0x1];
	s2 =	simm.s32 $0x0  }
0x3: {  	s11 =	simm.s32 $0x1;
	s12 =	simm.s32 $0x2780;
	s3 =	sand.u32 $0x1, s0  }
0x4: {  	s13 =	simm.s32 $0x8F00;
	s0 =	stileid.u32;
	s1 =	sshll.u32 s3, $0x4  }
0x5: {  	s14 =	simm.s32 $0xB680;
	s15 =	simm.s32 $0x4F00;
	s6 =	sor.u32 s0, s1  }
0x6: {  	s16 =	simm.s32 $0x0;
	[smem:$0x7FF] =	sst s2;
	s7 =	sshrl.u32 s6, $0x3  }
0x7: {  	s8 =	sshll.u32 s0, $0x7;
	s3 =	ssub.s32 $0x2, s3;
	s7 =	smul.u32 $0x13C00, s7  }
0x8: {  	s1 =	rddreg [dreg:$0x2];
	s8 =	sand.u32 $0x380, s8;
	_ =	strace $0x80000047  }
0x9: {  	s31 =	sshrl.u32 s3, $0x1;
	s6 =	sshll.u32 s6, $0xB;
	s7 =	sor.u32 s8, s7  }
0xa: {  	s10 =	ssub.s32 s3, s31;
	s9 =	sadd.s32 s6, s4;
	s7 =	sshrl.u32 s7, $0x3  }
0xb: {  	s8 =	smax.u32 s10, $0x1;
	s10 =	simm.s32 $0x400;
	s30 =	sadd.s32 s7, s4  }
0xc: {  	s4 =	sadd.s32 s5, s7;
	s7 =	sadd.s32 $0x1F000, s9;
	s9 =	simm.s32 $0x80  }
0xd: {  	v0 =	vimm.f32 $0.0e+00;
	v1 =	vimm.f32 $1.000000000e+00;
	s3 =	sadd.s32 $0x1600, s30;
	s5 =	sadd.s32 $0xB400, s30;
	s6 =	sadd.s32 $0x15200, s30  }
.LBB2_1:
0xe: {  	[tilespmem:s2], [sflag:$0x1] =	stream.strided.gather [hbm4b:s3+s9], $0x2780, s10, s9, $0x38;
	[tilespmem:$0xDE00] =	vst v63  }
0xf: {  	_ =	swait.ge [sflag:s11], $0x2780  }
0x10: {  	[sflag:s11] =	ssyncset.done $0x0  }
0x11: {  	[sflag:s11] =	ssyncadd.s32 $0xFFFFD880  }
0x12: {  	[tilespmem:s12], [sflag:$0x1] =	stream.strided.gather [hbm4b:s4+s9], $0x2780, s10, s9, $0x38;
	[tilespmem:$0xDE00] =	vst v63  }
0x13: {  	_ =	swait.ge [sflag:s11], $0x2780  }
0x14: {  	[sflag:s11] =	ssyncset.done $0x0  }
0x15: {  	s17 =	simm.s32 $0x0;
	[sflag:s11] =	ssyncadd.s32 $0xFFFFD880  }
.LBB2_2:
0x16: {  	p0 =	sne.s32 s17, $0x9C00  }
.Ltmp0:
0x17: {  	_ = 	snop;
	(pc) =	sbr.rel @p0 .LBB2_2-.Ltmp0, $4  }
0x18: {  	_ = 	snop  }
0x19: {  	s18 =	sshra.s32 s17, $0x2  }
0x1a: {  	[tilespmem:s18+$0x8F00] =	vst v0  }
0x1b: {  	s17 =	sadd.s32 $0x40, s17;
	[tilespmem:s18+$0xB680] =	vst v0  }
0x1c: {  	s17 =	simm.s32 $0x0  }
0x1d: {  	s18 =	simm.s32 $0x2780;
	v3 =	vld [tilespmem:s17+$0x0]  }
0x1e: {  	s19 =	simm.s32 $0x1;
	s20 =	simm.s32 $0x0;
	v2 =	vld [tilespmem:s18+$0x0];
	s21 =	smul.u32 $0xCCCD, s17  }
.LBB2_4:
0x1f: {  	p0 =	sne.s32 s19, $0x270  }
0x20: {  	s21 =	sshrl.u32 s21, $0x12  }
0x21: {  	s22 =	smul.u32 $0x5, s21;
	_ =	sdelay $0x1  }
0x22: {  	s22 =	ssub.s32 s17, s22;
	s17 =	smov.u32 s19  }
0x23: {  	s22 =	sand.u32 $0xFFFF, s22  }
.Ltmp1:
0x24: {  	s21 =	sshll.u32 s21, $0x7;
	[tilespmem:v3+s13+$0x0] =	vst.idx.add.f32.msk $0xffff, v1;
	s22 =	sshll.u32 s22, $0x4;
	(pc) =	sbr.rel @p0 .LBB2_4-.Ltmp1, $4  }
0x25: {  	[tilespmem:v2+s14+$0x0] =	vst.idx.add.f32.msk $0xffff, v1;
	s21 =	sor.u32 s22, s21  }
0x26: {  	s20 =	sadd.s32 $0x10, s20;
	[tilespmem:s21+$0x4F00] =	vst v2  }
0x27: {  	s18 =	sadd.s32 $0x10, s18;
	v3 =	vld [tilespmem:s20+$0x0]  }
0x28: {  	s19 =	sadd.s32 $0x1, s19;
	s21 =	smul.u32 $0xCCCD, s17;
	v2 =	vld [tilespmem:s18+$0x0]  }
0x29: {  	_ =	sdelay $0x1  }
0x2a: {  	s18 =	sshrl.u32 s21, $0x12  }
0x2b: {  	s19 =	smul.u32 $0x5, s18;
	_ =	sdelay $0x1  }
0x2c: {  	s17 =	ssub.s32 s17, s19  }
0x2d: {  	s17 =	sand.u32 $0xFFFF, s17  }
0x2e: {  	s18 =	sshll.u32 s18, $0x7;
	[tilespmem:v3+s13+$0x0] =	vst.idx.add.f32.msk $0xffff, v1;
	s17 =	sshll.u32 s17, $0x4  }
0x2f: {  	[tilespmem:v2+s14+$0x0] =	vst.idx.add.f32.msk $0xffff, v1;
	s17 =	sor.u32 s17, s18  }
0x30: {  	[tilespmem:s17+$0x4F00] =	vst v2  }
0x31: {  	[hbm4b:s5+s9] =	stream.strided.scatter [tilespmem:s13], [sflag:$0x1], $0x2780, s10, s9, $0x38;
	[tilespmem:$0xDE00] =	vst v63  }
0x32: {  	_ =	swait.ge [sflag:s11], $0x2780  }
0x33: {  	[sflag:s11] =	ssyncset.done $0x0  }
0x34: {  	[sflag:s11] =	ssyncadd.s32 $0xFFFFD880  }
0x35: {  	[hbm4b:s6+s9] =	stream.strided.scatter [tilespmem:s14], [sflag:$0x1], $0x2780, s10, s9, $0x38;
	[tilespmem:$0xDE00] =	vst v63  }
0x36: {  	s16 =	sadd.s32 $0x1, s16;
	_ =	swait.ge [sflag:s11], $0x2780  }
0x37: {  	p0 =	sne.s32 s16, s8;
	[sflag:s11] =	ssyncset.done $0x0  }
.Ltmp2:
0x38: {  	[sflag:s11] =	ssyncadd.s32 $0xFFFFD880;
	(pc) =	sbr.rel @p0 .LBB2_1-.Ltmp2, $4  }
0x39: {  	[hbm4b:s7+s2] =	stream.linear.scatter [tilespmem:s15], [sflag:$0x1], $0x3E80, $0x38;
	[tilespmem:$0xDE00] =	vst v63  }
0x3a: {  	_ =	swait.ge [sflag:s11], $0x3E80  }
0x3b: {  	[sflag:s11] =	ssyncset.done $0x0  }
0x3c: {  	[sflag:s11] =	ssyncadd.s32 $0xFFFFC180  }
0x3d: {  	_ =	sfence.sel $0x180000  }
0x3e: {  	[bflag:$0x0] =	sbarrier.arrive $0xFFFF  }
0x3f: {  	p0 =	sne.s32 s0, $0x0;
	_ =	strace $0x90000047  }
0x40: {  	s0 =	sadd.s32 @!p0 $0x100000, s1;
	[bflag:$0x2] =	sbarrier.arrive $0xFFFF  }
0x41: {  	[sflag:s0] =	ssyncadd.tile.s32 @!p0 $0x1;
	_ =	shalt  }
.Lfunc_end2:
_tile_overlayer_lowered:
.L_overlay_start_2:
0x42: {  	(tag) =	ssettag $0x2  }
0x43: {  	s0 =	rddreg [dreg:$0x0];
	s2 =	stileid.u32  }
0x44: {  	s1 =	rddreg [dreg:$0x1];
	p0 =	sne.s32 s2, $0x0  }
0x45: {  	s3 =	rddreg [dreg:$0x2];
	[bflag:$0x3] =	sbarrier.arrive $0xFFFF;
	s2 =	simm.s32 @!p0 $0x1C01  }
0x46: {  	[timem:s3], [sflag:s2] =	dma.local @!p0 [hbm:s0], s1  }
0x47: {  	s0 =	simm.s32 @!p0 $0x1  }
0x48: {  	_ =	swait.ge @!p0 [sflag:s0], s1  }
0x49: {  	s1 =	ssub.s32 @!p0 $0x0, s1;
	[sflag:s0] =	ssyncset.done @!p0 $0x0  }
0x4a: {  	[sflag:s0] =	ssyncadd.s32 @!p0 s1  }
0x4b: {  	[bflag:$0x3] =	sbarrier.arrive $0xFFFF  }
0x4c: {  	_ =	shalt  }

// kernel: kernel.9.cloned.1.call-start
scs
__scs_entry_jumppad:
0x0: {  	(pc) =	sbr.rel $0x88, $3  }
0x1: {  	(tag) =	ssettag $0x0;
	lr =	simm.s32 $0x1  }
0x2: {  	[smem:$0x3F9E] =	sst lr;
	_ =	strace $0xD0000000  }
0x3: {  	_ = 	snop  }
0x4: {  	_ = 	snop  }
0x5: {  	_ = 	snop  }
0x6: {  	_ = 	snop  }
0x7: {  	_ = 	snop  }
__scs_overlays_trampoline_lowered:
0x8: {  	[smem:$0x3FAD] =	sst s0  }
0x9: {  	[smem:$0x3FAE] =	sst s1  }
0xa: {  	[smem:$0x3FAF] =	sst s2  }
0xb: {  	[smem:$0x3FB0] =	sst s3  }
0xc: {  	[smem:$0x3FB1] =	sst s4  }
0xd: {  	[smem:$0x3FB2] =	sst s5  }
0xe: {  	[smem:$0x3FB3] =	sst s6  }
0xf: {  	[smem:$0x3FB4] =	sst s7  }
0x10: {  	[smem:$0x3FB5] =	sst s8  }
0x11: {  	[smem:$0x3FB6] =	sst s9;
	s0 =	simm.s32 @!p0 $0x0  }
0x12: {  	s1 =	sld [smem:$0x3F9C];
	s0 =	simm.s32 @p0 $0x1  }
0x13: {  	[smem:$0x3FB7] =	sst s0;
	s0 =	simm.s32 @!p1 $0x0  }
0x14: {  	s2 =	sld [smem:$0x3F9B];
	s0 =	simm.s32 @p1 $0x1  }
0x15: {  	[smem:$0x3FB8] =	sst s0;
	s0 =	simm.s32 @!p2 $0x0  }
0x16: {  	s3 =	sld [smem:$0x3FDB];
	s0 =	simm.s32 @p2 $0x1  }
0x17: {  	s4 =	simm.s32 $0x1BF5;
	[smem:$0x3FBA] =	sst s0  }
0x18: {  	s0 =	sld [smem:$0x3F9D];
	_ =	swait.ge [sflag:s4], $0x0  }
0x19: {  	s7 =	sld [smem:$0x3F9E]  }
0x1a: {  	s8 =	sadd.s32 $0xFFFFE003, lr  }
0x1b: {  	s9 =	sadd.s32 $0xFFFFFEF7, lr;
	s5 =	simm.s32 $0xFFFFFFFF;
	p2 =	slt.u32 s8, $0xFFFFF086  }
0x1c: {  	p1 =	slt.u32 s9, $0xF7A;
	s5 =	simm.s32 @!p2 $0x0  }
0x1d: {  	s5 =	simm.s32 @p1 $0x1;
	p0 =	seq.s32 s7, s2  }
0x1e: {  	s7 =	smul.u32 @!p0 $0xF7A, s2;
	p2 =	seq.s32 @!p0 s5, $0x0  }
0x1f: {  	s9 =	smul.u32 $0xF7A, s1;
	s8 =	simm.s32 @!p0 $0x1BF5;
	p2 =	por !p2, p0  }
0x20: {  	[sflag:s8] =	ssyncset.s32 @!p0 $0xFFFFF086;
	s6 =	sadd.s32 @!p0 s3, s7;
	s7 =	simm.s32 @!p0 $0x108  }
0x21: {  	s3 =	sadd.s32 s3, s9;
	s6 =	sadd.s32 @!p0 $0x88, s6;
	s7 =	simm.s32 @p2 $0x1082  }
0x22: {  	[simem:s7], [sflag:s8] =	dma.local @!p0 [hbm:s6], $0xF7A  }
0x23: {  	s9 =	sor.u32 $0xD0000000, s2;
	s6 =	simm.s32 $0x108;
	_ =	swait.ge @!p0 [sflag:s8], $0x0  }
0x24: {  	s3 =	sadd.s32 $0x88, s3;
	s6 =	simm.s32 @!p1 $0x1082;
	[sflag:s4] =	ssyncset.s32 $0xFFFFF086  }
0x25: {  	[simem:s6], [sflag:s4] =	dma.local [hbm:s3], $0xF7A  }
0x26: {  	[smem:$0x3F9E] =	sst s1;
	(tag) =	ssettag s2;
	_ =	strace s9  }
0x27: {  	s1 =	sld [smem:$0x3FAE]  }
0x28: {  	s2 =	sld [smem:$0x3FAF]  }
0x29: {  	s4 =	sld [smem:$0x3FB1]  }
0x2a: {  	p0 =	seq.s32 s5, $0x0;
	s5 =	sld [smem:$0x3FB2]  }
0x2b: {  	s6 =	sld [smem:$0x3FB3]  }
0x2c: {  	s7 =	sld [smem:$0x3FB4]  }
0x2d: {  	s3 =	simm.s32 $0x108;
	s8 =	sld [smem:$0x3FB5]  }
0x2e: {  	s3 =	simm.s32 @!p0 $0x1082;
	s9 =	sld [smem:$0x3FB6]  }
0x2f: {  	lr =	sadd.s32 s0, s3;
	s0 =	sld [smem:$0x3FAD]  }
0x30: {  	s3 =	sld [smem:$0x3FB0]  }
0x31: {  	[smem:$0x3FB9] =	sst s10  }
0x32: {  	s10 =	sld [smem:$0x3FB7];
	_ =	sdelay $0x3  }
0x33: {  	p0 =	seq.s32 s10, $0x1;
	s10 =	sld [smem:$0x3FB9];
	_ =	sdelay $0x3  }
0x34: {  	[smem:$0x3FB9] =	sst s10  }
0x35: {  	s10 =	sld [smem:$0x3FB8];
	_ =	sdelay $0x3  }
0x36: {  	p1 =	seq.s32 s10, $0x1;
	s10 =	sld [smem:$0x3FB9];
	_ =	sdelay $0x3  }
0x37: {  	[smem:$0x3FB9] =	sst s10  }
0x38: {  	s10 =	sld [smem:$0x3FBA]  }
0x39: {  	_ = 	snop;
	(pc) =	sbr.ind lr, $3  }
0x3a: {  	_ = 	snop  }
0x3b: {  	_ = 	snop  }
0x3c: {  	p2 =	seq.s32 s10, $0x1;
	s10 =	sld [smem:$0x3FB9]  }
0x3d: {  	_ =	shalt  }
0x3e: {  	_ =	shalt  }
0x3f: {  	_ =	shalt  }
0x40: {  	_ =	shalt  }
0x41: {  	_ =	shalt  }
0x42: {  	_ =	shalt  }
0x43: {  	_ =	shalt  }
0x44: {  	_ =	shalt  }
0x45: {  	_ =	shalt  }
0x46: {  	_ =	shalt  }
0x47: {  	_ =	shalt  }
0x48: {  	_ =	shalt  }
0x49: {  	_ =	shalt  }
0x4a: {  	_ =	shalt  }
0x4b: {  	_ =	shalt  }
0x4c: {  	_ =	shalt  }
0x4d: {  	_ =	shalt  }
0x4e: {  	_ =	shalt  }
0x4f: {  	_ =	shalt  }
0x50: {  	_ =	shalt  }
0x51: {  	_ =	shalt  }
0x52: {  	_ =	shalt  }
0x53: {  	_ =	shalt  }
0x54: {  	_ =	shalt  }
0x55: {  	_ =	shalt  }
0x56: {  	_ =	shalt  }
0x57: {  	_ =	shalt  }
0x58: {  	_ =	shalt  }
0x59: {  	_ =	shalt  }
0x5a: {  	_ =	shalt  }
0x5b: {  	_ =	shalt  }
0x5c: {  	_ =	shalt  }
0x5d: {  	_ =	shalt  }
0x5e: {  	_ =	shalt  }
0x5f: {  	_ =	shalt  }
0x60: {  	_ =	shalt  }
0x61: {  	_ =	shalt  }
0x62: {  	_ =	shalt  }
0x63: {  	_ =	shalt  }
0x64: {  	_ =	shalt  }
0x65: {  	_ =	shalt  }
0x66: {  	_ =	shalt  }
0x67: {  	_ =	shalt  }
0x68: {  	_ =	shalt  }
0x69: {  	_ =	shalt  }
0x6a: {  	_ =	shalt  }
0x6b: {  	_ =	shalt  }
0x6c: {  	_ =	shalt  }
0x6d: {  	_ =	shalt  }
0x6e: {  	_ =	shalt  }
0x6f: {  	_ =	shalt  }
0x70: {  	_ =	shalt  }
0x71: {  	_ =	shalt  }
0x72: {  	_ =	shalt  }
0x73: {  	_ =	shalt  }
0x74: {  	_ =	shalt  }
0x75: {  	_ =	shalt  }
0x76: {  	_ =	shalt  }
0x77: {  	_ =	shalt  }
0x78: {  	_ =	shalt  }
0x79: {  	_ =	shalt  }
0x7a: {  	_ =	shalt  }
0x7b: {  	_ =	shalt  }
0x7c: {  	_ =	shalt  }
0x7d: {  	_ =	shalt  }
0x7e: {  	_ =	shalt  }
0x7f: {  	_ =	shalt  }
0x80: {  	_ =	shalt  }
0x81: {  	_ =	shalt  }
0x82: {  	_ =	shalt  }
0x83: {  	_ =	shalt  }
0x84: {  	_ =	shalt  }
0x85: {  	_ =	shalt  }
0x86: {  	_ =	shalt  }
0x87: {  	_ =	shalt  }
.Lfunc_end0:
.L_simem_size_0:
called_computation.1_lowered:
.L_overlay_start_0:
0x88: {  	s2 =	sld [smem:$0x3FD9]  }
0x89: {  	s3 =	sld [smem:$0x3FFE];
	_ =	sdelay $0x1  }
0x8a: {  	s1 =	srdreg.scid  }
0x8b: {  	s0 =	sand.u32 $0x1, s1  }
0x8c: {  	s17 =	sshll.u32 s0, $0xA;
	s2 =	sadd.s32 s3, s2  }
0x8d: {  	s2 =	sadd.s32 s2, s17  }
0x8e: {  	[smem:$0x3FC5] =	sst s2  }
0x8f: {  	_ = 	snop  }
0x90: {  	s2 =	sld [smem:$0x3FD0];
	(tm) =	ssettm $0x1  }
0x91: {  	s18 =	sld [smem:$0x3FFB];
	_ =	sdelay $0x3  }
0x92: {  	_ =	strace s18  }
0x93: {  	s3 =	sld [smem:$0x3FFC];
	_ =	sdelay $0x3  }
0x94: {  	_ =	strace s3  }
0x95: {  	s3 =	sld [smem:$0x3FFD];
	_ =	sdelay $0x3  }
0x96: {  	_ =	strace s3  }
0x97: {  	_ =	strace $0x8FFFFFFF  }
0x98: {  	s19 =	sld [smem:$0x3FDB];
	_ =	sdelay $0x1  }
0x99: {  	s4 =	simm.s32 $_scs_section_size  }
0x9a: {  	s5 =	simm.s32 $_size__tile_overlayer_lowered;
	s6 =	simm.s32 $_tile_overlayer_lowered  }
0x9b: {  	s22 =	simm.s32 $0x1BFF;
	s21 =	sshll.u32 s6, $0x1;
	s3 =	sadd.s32 s4, s19  }
0x9c: {  	s7 =	simm.s32 $0x0;
	s20 =	sshll.u32 s5, $0x1;
	s5 =	sadd.s32 s21, s3  }
0x9d: {  	[timem:s7], [sflag:s22] =	dma.local [hbm:s5], s20  }
0x9e: {  	_ =	swait.ge [sflag:s22], s20  }
0x9f: {  	s4 =	ssub.s32 $0x0, s20;
	[sflag:s22] =	ssyncset.done $0x0  }
0xa0: {  	[sflag:s22] =	ssyncadd.s32 s4;
	_ =	sdelay $0x1  }
0xa1: {  	s23 =	simm.s32 $0x1B8B  }
0xa2: {  	_ =	swait.ge [sflag:s23], $0x1  }
0xa3: {  	[sflag:s23] =	ssyncset.done $0x0  }
0xa4: {  	s25 =	simm.s32 $0x1B8E;
	s24 =	sld [smem:$0x3FFE];
	[sflag:s23] =	ssyncadd.s32 $0xFFFFFFFF  }
0xa5: {  	s26 =	simm.s32 $execute0_lowered;
	[smem:$0x3FD2] =	sst s25  }
0xa6: {  	s5 =	sshll.u32 s26, $0x1;
	_ =	strace $0x80000049;
	[dreg:$0x1] =	wrdreg $0xFFFFFFFF  }
0xa7: {  	s28 =	simm.s32 $_size_execute0_lowered;
	s3 =	sadd.s32 s3, s5;
	[dreg:$0x0] =	wrdreg $0x0  }
0xa8: {  	s5 =	sshll.u32 s28, $0x1;
	[dreg:$0x2] =	wrdreg s3  }
0xa9: {  	[dreg:$0x3] =	wrdreg s5  }
0xaa: {  	[dreg:$0x4] =	wrdreg $0xC0  }
0xab: {  	_ =	task [dreg:s7], $0x5FFFF  }
0xac: {  	[dreg:$0x1] =	wrdreg $0xFFFFFFFF  }
0xad: {  	[dreg:$0x0] =	wrdreg $0x60  }
0xae: {  	[dreg:$0x2] =	wrdreg s2  }
0xaf: {  	[dreg:$0x3] =	wrdreg s24  }
0xb0: {  	[dreg:$0x4] =	wrdreg $0x78800  }
0xb1: {  	[dreg:$0x5] =	wrdreg $0x9  }
0xb2: {  	_ =	task.clear_ibuf [dreg:s7], $0x6FFFF;
	_ =	strace $0x90000049  }
0xb3: {  	s29 =	simm.s32 $0x9;
	_ =	strace $0x8000004B  }
0xb4: {  	_ =	swait.ge [sflag:s29], $0x1  }
0xb5: {  	[sflag:s29] =	ssyncadd.s32 $0xFFFFFFFF  }
0xb6: {  	_ =	strace $0x9000004B  }
0xb7: {  	_ =	sfence  }
0xb8: {  	s30 =	sld [smem:$0x0];
	_ =	sdelay $0x2  }
0xb9: {  	s31 =	sshll.u32 s1, $0xD;
	s1 =	sshrl.u32 s1, $0x2  }
0xba: {  	s3 =	sand.u32 $0x4000, s31;
	s1 =	sadd.s32 s1, s30  }
0xbb: {  	s0 =	sor.u32 s3, s0;
	s1 =	sshll.u32 s1, $0x11  }
0xbc: {  	s0 =	sor.u32 s1, s0  }
0xbd: {  	s0 =	sadd.s32 $0x8F2B, s0  }
0xbe: {  	[sflag:s0] =	ssyncadd.remote.s32 $0x1  }
0xbf: {  	_ =	sfence.sel $0xFFFF  }
0xc0: {  	[dreg:$0x0] =	wrdreg $0xFFFFFFFF;
	(pc) =	sbr.abs _section_cstart, $3  }
0xc1: {  	[dreg:$0x1] =	wrdreg $0xFFFFFFFF  }
0xc2: {  	_ =	task.clear_ibuf [dreg:s7], $0x2FFFF;
	_ =	strace $0x9FFFFFFF  }
0xc3: {  	(tm) =	ssettm $0x7FFFFFFF  }
tec
execute0_lowered:
.L_overlay_start_1:
0x0: {  	(tag) =	ssettag $0x1  }
0x1: {  	s1 =	rddreg [dreg:$0x0]  }
0x2: {  	s0 =	srdreg.scid;
	s6 =	rddreg [dreg:$0x1]  }
0x3: {  	s11 =	stileid.u32;
	s3 =	rddreg [dreg:$0x2]  }
0x4: {  	s23 =	simm.s32 $0x5880;
	s24 =	simm.s32 $0x6080;
	s25 =	simm.s32 $0x6880  }
0x5: {  	s26 =	simm.s32 $0x7080;
	s28 =	simm.s32 $0x10;
	s29 =	simm.s32 $0x3080  }
0x6: {  	s31 =	simm.s32 $0x3880;
	s30 =	simm.s32 $0x4880;
	s0 =	sand.u32 $0x1, s0  }
0x7: {  	s7 =	sshll.u32 s11, $0x7;
	s12 =	smul.u32 $0x4E000, s11;
	s2 =	sshll.u32 s0, $0x4  }
0x8: {  	s17 =	smul.u32 $0x13800, s11;
	s9 =	ssub.s32 $0x2, s0;
	s2 =	sor.u32 s11, s2  }
0x9: {  	p0 =	sne.s32 s11, $0xF;
	s10 =	sshrl.u32 s9, $0x1;
	s4 =	sshrl.u32 s2, $0x3  }
0xa: {  	s9 =	ssub.s32 s9, s10;
	s5 =	smul.u32 $0x13C00, s4;
	s4 =	simm.s32 $0x0  }
0xb: {  	s7 =	sand.u32 $0x380, s7;
	s22 =	smax.u32 s9, $0x1;
	[smem:$0x7FF] =	sst s4  }
0xc: {  	s0 =	smul.u32 $0x138800, s0;
	_ =	strace $0x8000004A;
	[dreg:$0x15] =	wrdreg s22  }
0xd: {  	s11 =	simm.s32 $0x0;
	s10 =	simm.s32 $0x2;
	[dreg:$0x4] =	wrdreg s23  }
0xe: {  	s9 =	simm.s32 $0x4;
	s5 =	sor.u32 s7, s5;
	[dreg:$0x5] =	wrdreg s24  }
0xf: {  	s7 =	sshrl.u32 s12, $0x2;
	[dreg:$0x6] =	wrdreg s25;
	s23 =	simm.s32 $0x2880  }
0x10: {  	s24 =	simm.s32 $0x6;
	[dreg:$0x7] =	wrdreg s26;
	s14 =	sadd.s32 s7, s3  }
0x11: {  	s26 =	simm.s32 $0x2780;
	s7 =	sadd.s32 $0x2800, s14;
	[dreg:$0x9] =	wrdreg s14  }
0x12: {  	s22 =	simm.s32 $0x2800;
	s13 =	sadd.s32 $0x5000, s14;
	[dreg:$0xa] =	wrdreg s7  }
0x13: {  	s5 =	sshrl.u32 s5, $0x3;
	s15 =	sadd.s32 $0x7800, s14;
	[dreg:$0xb] =	wrdreg s13  }
0x14: {  	s8 =	sadd.s32 s5, s6;
	s16 =	sadd.s32 $0xA000, s14;
	[dreg:$0xc] =	wrdreg s15  }
0x15: {  	s5 =	sadd.s32 $0x1F000, s6;
	s18 =	sadd.s32 $0xC800, s14;
	[dreg:$0xd] =	wrdreg s16  }
0x16: {  	s6 =	sadd.s32 $0x2F000, s6;
	s19 =	sadd.s32 $0xF000, s14;
	[dreg:$0xe] =	wrdreg s18  }
0x17: {  	s20 =	sadd.s32 $0x11800, s14;
	s8 =	sadd.s32 $0x1600, s8;
	[dreg:$0xf] =	wrdreg s19  }
0x18: {  	[dreg:$0x10] =	wrdreg s20;
	s15 =	sadd.s32 $0x138000, s3;
	s16 =	sshll.u32 s2, $0xE  }
0x19: {  	s2 =	sshll.u32 s2, $0xB;
	[dreg:$0x8] =	wrdreg s8;
	s8 =	sadd.s32 s17, s0  }
0x1a: {  	s0 =	sshrl.u32 s0, $0x3;
	s2 =	sadd.s32 s5, s2;
	[dreg:$0x11] =	wrdreg s15  }
0x1b: {  	s8 =	sshrl.u32 s8, $0x3;
	[dreg:$0x12] =	wrdreg s2;
	s0 =	sadd.s32 s6, s0  }
0x1c: {  	s2 =	simm.s32 $0x5080;
	s21 =	sadd.s32 s6, s8;
	s0 =	sadd.s32 $0x27000, s0  }
0x1d: {  	s6 =	simm.s32 $0x1;
	s8 =	simm.s32 $0x50;
	[dreg:$0x13] =	wrdreg s21  }
0x1e: {  	v0 =	vimm.f32 $0.0e+00;
	[dreg:$0x14] =	wrdreg s0;
	s21 =	simm.s32 $0x4080;
	s0 =	simm.s32 $0x3  }
.LBB2_1:
0x1f: {  	s7 =	rddreg [dreg:$0x8];
	s12 =	simm.s32 $0x80;
	s13 =	simm.s32 $0x400  }
0x20: {  	[tilespmem:s4], [sflag:$0x5] =	stream.strided.gather [hbm4b:s7+s12], $0x2780, s13, s12, $0x38;
	[tilespmem:$0x1B100] =	vst v63  }
0x21: {  	s12 =	simm.s32 $0x0;
	s13 =	simm.s32 $0x200  }
.LBB2_2:
0x22: {  	p1 =	sne.s32 s13, $0x9E00;
	[tilespmem:s12+$0x28F0] =	vst v0  }
0x23: {  	[tilespmem:s12+$0x2880] =	vst v0  }
0x24: {  	[tilespmem:s12+$0x2890] =	vst v0  }
.Ltmp0:
0x25: {  	[tilespmem:s12+$0x28A0] =	vst v0;
	(pc) =	sbr.rel @p1 .LBB2_2-.Ltmp0, $4  }
0x26: {  	[tilespmem:s12+$0x28B0] =	vst v0  }
0x27: {  	[tilespmem:s12+$0x28C0] =	vst v0  }
0x28: {  	[tilespmem:s12+$0x28D0] =	vst v0  }
0x29: {  	[tilespmem:s12+$0x28E0] =	vst v0;
	s12 =	sshra.s32 s13, $0x2;
	s13 =	sadd.s32 $0x200, s13  }
0x2a: {  	[tilespmem:s12+$0x28F0] =	vst v0  }
0x2b: {  	[tilespmem:s12+$0x2880] =	vst v0  }
0x2c: {  	[tilespmem:s12+$0x2890] =	vst v0  }
0x2d: {  	[tilespmem:s12+$0x28A0] =	vst v0  }
0x2e: {  	[tilespmem:s12+$0x28B0] =	vst v0  }
0x2f: {  	[tilespmem:s12+$0x28C0] =	vst v0  }
0x30: {  	[tilespmem:s12+$0x28D0] =	vst v0  }
0x31: {  	[tilespmem:s12+$0x28E0] =	vst v0  }
0x32: {  	[spmem:s14] =	stream.linear.scatter [tilespmem:s23], [sflag:$0x6], $0x2800, $0x38;
	[tilespmem:$0x1B100] =	vst v63  }
0x33: {  	_ =	swait.ge [sflag:s24], $0x2800  }
0x34: {  	[sflag:s24] =	ssyncset.done $0x0  }
0x35: {  	s7 =	rddreg [dreg:$0xa];
	[sflag:s24] =	ssyncadd.s32 $0xFFFFD800  }
0x36: {  	[spmem:s7] =	stream.linear.scatter [tilespmem:s23], [sflag:$0x6], $0x2800, $0x38;
	[tilespmem:$0x1B100] =	vst v63  }
0x37: {  	_ =	swait.ge [sflag:s24], $0x2800  }
0x38: {  	[sflag:s24] =	ssyncset.done $0x0  }
0x39: {  	s19 =	rddreg [dreg:$0xb];
	[sflag:s24] =	ssyncadd.s32 $0xFFFFD800  }
0x3a: {  	[spmem:s19] =	stream.linear.scatter [tilespmem:s23], [sflag:$0x6], $0x2800, $0x38;
	[tilespmem:$0x1B100] =	vst v63  }
0x3b: {  	_ =	swait.ge [sflag:s24], $0x2800  }
0x3c: {  	[sflag:s24] =	ssyncset.done $0x0  }
0x3d: {  	s20 =	rddreg [dreg:$0xc];
	[sflag:s24] =	ssyncadd.s32 $0xFFFFD800  }
0x3e: {  	[spmem:s20] =	stream.linear.scatter [tilespmem:s23], [sflag:$0x6], $0x2800, $0x38;
	[tilespmem:$0x1B100] =	vst v63  }
0x3f: {  	_ =	swait.ge [sflag:s24], $0x2800  }
0x40: {  	[sflag:s24] =	ssyncset.done $0x0  }
0x41: {  	s25 =	rddreg [dreg:$0xd];
	[sflag:s24] =	ssyncadd.s32 $0xFFFFD800  }
0x42: {  	[spmem:s25] =	stream.linear.scatter [tilespmem:s23], [sflag:$0x6], $0x2800, $0x38;
	[tilespmem:$0x1B100] =	vst v63  }
0x43: {  	_ =	swait.ge [sflag:s24], $0x2800  }
0x44: {  	[sflag:s24] =	ssyncset.done $0x0  }
0x45: {  	s12 =	rddreg [dreg:$0xe];
	[sflag:s24] =	ssyncadd.s32 $0xFFFFD800  }
0x46: {  	[spmem:s12] =	stream.linear.scatter [tilespmem:s23], [sflag:$0x6], $0x2800, $0x38;
	[tilespmem:$0x1B100] =	vst v63  }
0x47: {  	_ =	swait.ge [sflag:s24], $0x2800  }
0x48: {  	[sflag:s24] =	ssyncset.done $0x0  }
0x49: {  	s13 =	rddreg [dreg:$0xf];
	[sflag:s24] =	ssyncadd.s32 $0xFFFFD800  }
0x4a: {  	[spmem:s13] =	stream.linear.scatter [tilespmem:s23], [sflag:$0x6], $0x2800, $0x38;
	[tilespmem:$0x1B100] =	vst v63  }
0x4b: {  	_ =	swait.ge [sflag:s24], $0x2800  }
0x4c: {  	[sflag:s24] =	ssyncset.done $0x0  }
0x4d: {  	s14 =	rddreg [dreg:$0x10];
	[sflag:s24] =	ssyncadd.s32 $0xFFFFD800  }
0x4e: {  	[spmem:s14] =	stream.linear.scatter [tilespmem:s23], [sflag:$0x6], $0x2000, $0x38;
	[tilespmem:$0x1B100] =	vst v63  }
0x4f: {  	_ =	swait.ge [sflag:s24], $0x2000  }
0x50: {  	[sflag:s24] =	ssyncset.done $0x0  }
0x51: {  	s12 =	simm.s32 @!p0 $0x2880;
	[sflag:s24] =	ssyncadd.s32 $0xFFFFE000  }
0x52: {  	[spmem:s15] =	stream.linear.scatter @!p0 [tilespmem:s12], [sflag:$0x6], $0x800, $0x38;
	[tilespmem:$0x1B100] =	vst v63  }
0x53: {  	s12 =	simm.s32 @!p0 $0x6  }
0x54: {  	_ =	swait.ge @!p0 [sflag:s12], $0x800  }
0x55: {  	[sflag:s12] =	ssyncset.done @!p0 $0x0  }
0x56: {  	[sflag:s12] =	ssyncadd.s32 @!p0 $0xFFFFF800  }
0x57: {  	s17 =	simm.s32 $0x5;
	[bflag:$0x0] =	sbarrier.arrive $0xFFFF  }
0x58: {  	_ =	swait.ge [sflag:s17], $0x2780  }
0x59: {  	[sflag:s17] =	ssyncset.done $0x0  }
0x5a: {  	s12 =	simm.s32 $0x0;
	s18 =	rddreg [dreg:$0x12];
	[sflag:s17] =	ssyncadd.s32 $0xFFFFD880  }
0x5b: {  	[tilespmem:s26], [sflag:$0x3] =	stream.linear.gather [hbm4b:s18+s12], $0x80, $0x38;
	[tilespmem:$0x1B100] =	vst v63  }
0x5c: {  	_ = 	snop  }
0x5d: {  	[tilespmem:s23], [sflag:$0x1] =	stream.indirect.gather [hbm4b:s1+s28], $0x80, s12, s28, $0xb8;
	[tilespmem:$0x1B100] =	vst v63  }
0x5e: {  	_ = 	snop  }
0x5f: {  	[tilespmem:s29], [sflag:$0x1] =	stream.indirect.gather [hbm4b:s1+s28], $0x80, s28, s28, $0xb8;
	[tilespmem:$0x1B100] =	vst v63  }
0x60: {  	s19 =	simm.s32 $0x20  }
0x61: {  	[tilespmem:s31], [sflag:$0x1] =	stream.indirect.gather [hbm4b:s1+s28], $0x80, s19, s28, $0xb8;
	[tilespmem:$0x1B100] =	vst v63  }
0x62: {  	s20 =	simm.s32 $0x30  }
0x63: {  	[tilespmem:s21], [sflag:$0x1] =	stream.indirect.gather [hbm4b:s1+s28], $0x80, s20, s28, $0xb8;
	[tilespmem:$0x1B100] =	vst v63  }
0x64: {  	s25 =	simm.s32 $0x40  }
0x65: {  	[tilespmem:s30], [sflag:$0x1] =	stream.indirect.gather [hbm4b:s1+s28], $0x80, s25, s28, $0xb8;
	[tilespmem:$0x1B100] =	vst v63  }
0x66: {  	s13 =	simm.s32 $0x50;
	s15 =	simm.s32 $0x60;
	s17 =	simm.s32 $0x80  }
0x67: {  	[tilespmem:s2], [sflag:$0x2] =	stream.indirect.gather [hbm4b:s1+s28], $0x80, s13, s28, $0xb8;
	[tilespmem:$0x1B100] =	vst v63  }
0x68: {  	s7 =	rddreg [dreg:$0x4];
	s12 =	sand.u32 $0x3C00, s12;
	s13 =	sand.u32 $0x380, s17  }
0x69: {  	[tilespmem:s7], [sflag:$0x2] =	stream.indirect.gather [hbm4b:s1+s28], $0x80, s15, s28, $0xb8;
	[tilespmem:$0x1B100] =	vst v63  }
0x6a: {  	s18 =	rddreg [dreg:$0x5];
	s17 =	simm.s32 $0x70;
	s12 =	sor.u32 s13, s12  }
0x6b: {  	[tilespmem:s18], [sflag:$0x2] =	stream.indirect.gather [hbm4b:s1+s28], $0x80, s17, s28, $0xb8;
	[tilespmem:$0x1B100] =	vst v63  }
0x6c: {  	s19 =	rddreg [dreg:$0x6];
	s20 =	simm.s32 $0x80;
	s12 =	sor.u32 s16, s12  }
0x6d: {  	[tilespmem:s19], [sflag:$0x2] =	stream.indirect.gather [hbm4b:s1+s28], $0x80, s20, s28, $0xb8;
	[tilespmem:$0x1B100] =	vst v63  }
0x6e: {  	s25 =	rddreg [dreg:$0x7];
	s7 =	simm.s32 $0x90;
	s12 =	sshrl.u32 s12, $0x3  }
0x6f: {  	[tilespmem:s25], [sflag:$0x2] =	stream.indirect.gather [hbm4b:s1+s28], $0x80, s7, s28, $0xb8;
	[tilespmem:$0x1B100] =	vst v63  }
0x70: {  	s12 =	sadd.s32 s5, s12  }
0x71: {  	[tilespmem:s22], [sflag:$0x4] =	stream.linear.gather [hbm4b:s12+s4], $0x80, $0x38;
	[tilespmem:$0x1B100] =	vst v63  }
0x72: {  	_ =	swait.ge [sflag:s0], $0x80  }
0x73: {  	[sflag:s0] =	ssyncset.done $0x0  }
0x74: {  	[sflag:s0] =	ssyncadd.s32 $0xFFFFFF80  }
0x75: {  	_ =	swait.ge [sflag:s6], $0x800  }
0x76: {  	[sflag:s6] =	ssyncset.done $0x0  }
0x77: {  	[sflag:s6] =	ssyncadd.s32 $0xFFFFF800  }
0x78: {  	_ =	swait.ge [sflag:s6], $0x800  }
0x79: {  	[sflag:s6] =	ssyncset.done $0x0  }
0x7a: {  	[sflag:s6] =	ssyncadd.s32 $0xFFFFF800  }
0x7b: {  	_ =	swait.ge [sflag:s6], $0x800  }
0x7c: {  	[sflag:s6] =	ssyncset.done $0x0  }
0x7d: {  	[sflag:s6] =	ssyncadd.s32 $0xFFFFF800  }
0x7e: {  	_ =	swait.ge [sflag:s6], $0x800  }
0x7f: {  	[sflag:s6] =	ssyncset.done $0x0  }
0x80: {  	[sflag:s6] =	ssyncadd.s32 $0xFFFFF800  }
0x81: {  	_ =	swait.ge [sflag:s6], $0x800  }
0x82: {  	[sflag:s6] =	ssyncset.done $0x0  }
0x83: {  	[sflag:s6] =	ssyncadd.s32 $0xFFFFF800  }
0x84: {  	[spmem:s3] =	stream.indirect.scatter.add.f32 [tilespmem:s23], [sflag:$0x6], $0x80, s26, s8, $0xb8;
	[tilespmem:$0x1B100] =	vst v63  }
0x85: {  	_ =	swait.ge [sflag:s24], $0x2800  }
0x86: {  	[sflag:s24] =	ssyncset.done $0x0  }
0x87: {  	s13 =	simm.s32 $0xA0;
	s12 =	simm.s32 $0x100;
	[sflag:s24] =	ssyncadd.s32 $0xFFFFD800  }
0x88: {  	[tilespmem:s23], [sflag:$0x1] =	stream.indirect.gather [hbm4b:s1+s28], $0x80, s13, s28, $0xb8;
	[tilespmem:$0x1B100] =	vst v63  }
0x89: {  	s14 =	simm.s32 $0xB0;
	s17 =	sand.u32 $0x7C00, s12  }
0x8a: {  	[tilespmem:s29], [sflag:$0x1] =	stream.indirect.gather [hbm4b:s1+s28], $0x80, s14, s28, $0xb8;
	[tilespmem:$0x1B100] =	vst v63  }
0x8b: {  	s15 =	simm.s32 $0xC0;
	s19 =	sand.u32 $0x300, s12;
	s14 =	sadd.s32 s16, s17  }
0x8c: {  	[tilespmem:s31], [sflag:$0x1] =	stream.indirect.gather [hbm4b:s1+s28], $0x80, s15, s28, $0xb8;
	[tilespmem:$0x1B100] =	vst v63  }
0x8d: {  	s18 =	simm.s32 $0xD0;
	s20 =	sor.u32 s19, s14  }
0x8e: {  	[tilespmem:s21], [sflag:$0x1] =	stream.indirect.gather [hbm4b:s1+s28], $0x80, s18, s28, $0xb8;
	[tilespmem:$0x1B100] =	vst v63  }
0x8f: {  	s25 =	simm.s32 $0xE0;
	s13 =	sshrl.u32 s20, $0x3  }
0x90: {  	[tilespmem:s30], [sflag:$0x1] =	stream.indirect.gather [hbm4b:s1+s28], $0x80, s25, s28, $0xb8;
	[tilespmem:$0x1B100] =	vst v63  }
0x91: {  	s13 =	sadd.s32 s5, s13  }
0x92: {  	[tilespmem:s26], [sflag:$0x3] =	stream.linear.gather [hbm4b:s13+s4], $0x80, $0x38;
	[tilespmem:$0x1B100] =	vst v63  }
0x93: {  	_ =	swait.ge [sflag:s9], $0x80  }
0x94: {  	[sflag:s9] =	ssyncset.done $0x0  }
0x95: {  	[sflag:s9] =	ssyncadd.s32 $0xFFFFFF80  }
0x96: {  	_ =	swait.ge [sflag:s10], $0x800  }
0x97: {  	[sflag:s10] =	ssyncset.done $0x0  }
0x98: {  	[sflag:s10] =	ssyncadd.s32 $0xFFFFF800  }
0x99: {  	_ =	swait.ge [sflag:s10], $0x800  }
0x9a: {  	[sflag:s10] =	ssyncset.done $0x0  }
0x9b: {  	[sflag:s10] =	ssyncadd.s32 $0xFFFFF800  }
0x9c: {  	_ =	swait.ge [sflag:s10], $0x800  }
0x9d: {  	[sflag:s10] =	ssyncset.done $0x0  }
0x9e: {  	[sflag:s10] =	ssyncadd.s32 $0xFFFFF800  }
0x9f: {  	s14 =	simm.s32 $0x500;
	_ =	swait.ge [sflag:s10], $0x800  }
0xa0: {  	s18 =	simm.s32 $0x180;
	s13 =	simm.s32 $0x280;
	[sflag:s10] =	ssyncset.done $0x0  }
.LBB2_4:
0xa1: {  	[sflag:s10] =	ssyncadd.s32 $0xFFFFF800  }
0xa2: {  	_ =	swait.ge [sflag:s10], $0x800  }
0xa3: {  	[sflag:s10] =	ssyncset.done $0x0  }
0xa4: {  	[sflag:s10] =	ssyncadd.s32 $0xFFFFF800  }
0xa5: {  	[spmem:s3] =	stream.indirect.scatter.add.f32 [tilespmem:s2], [sflag:$0x6], $0x80, s22, s8, $0xb8;
	[tilespmem:$0x1B100] =	vst v63  }
0xa6: {  	s17 =	sshra.s32 s13, $0x2;
	s13 =	smov.u32 s14;
	_ =	swait.ge [sflag:s24], $0x2800  }
0xa7: {  	s19 =	sadd.s32 $0x280, s14;
	p1 =	sne.s32 s14, $0x9880;
	[sflag:s24] =	ssyncset.done $0x0  }
0xa8: {  	s18 =	sand.u32 $0x380, s18;
	s14 =	sadd.s32 $0x50, s17;
	[sflag:s24] =	ssyncadd.s32 $0xFFFFD800  }
0xa9: {  	[tilespmem:s2], [sflag:$0x2] =	stream.indirect.gather [hbm4b:s1+s28], $0x80, s14, s28, $0xb8;
	[tilespmem:$0x1B100] =	vst v63  }
0xaa: {  	s20 =	sand.u32 $0x3C00, s12;
	s7 =	rddreg [dreg:$0x4];
	s14 =	sadd.s32 $0x60, s17  }
0xab: {  	[tilespmem:s7], [sflag:$0x2] =	stream.indirect.gather [hbm4b:s1+s28], $0x80, s14, s28, $0xb8;
	[tilespmem:$0x1B100] =	vst v63  }
0xac: {  	s25 =	sadd.s32 $0x70, s17;
	s18 =	sor.u32 s18, s20;
	s20 =	rddreg [dreg:$0x5]  }
0xad: {  	[tilespmem:s20], [sflag:$0x2] =	stream.indirect.gather [hbm4b:s1+s28], $0x80, s25, s28, $0xb8;
	[tilespmem:$0x1B100] =	vst v63  }
0xae: {  	s18 =	sor.u32 s16, s18;
	s15 =	rddreg [dreg:$0x6];
	s20 =	sadd.s32 $0x80, s17  }
0xaf: {  	[tilespmem:s15], [sflag:$0x2] =	stream.indirect.gather [hbm4b:s1+s28], $0x80, s20, s28, $0xb8;
	[tilespmem:$0x1B100] =	vst v63  }
0xb0: {  	s7 =	sshrl.u32 s18, $0x3;
	s25 =	rddreg [dreg:$0x7];
	s15 =	sadd.s32 $0x90, s17  }
0xb1: {  	[tilespmem:s25], [sflag:$0x2] =	stream.indirect.gather [hbm4b:s1+s28], $0x80, s15, s28, $0xb8;
	[tilespmem:$0x1B100] =	vst v63  }
0xb2: {  	s7 =	sadd.s32 s5, s7  }
0xb3: {  	[tilespmem:s22], [sflag:$0x4] =	stream.linear.gather [hbm4b:s7+s4], $0x80, $0x38;
	[tilespmem:$0x1B100] =	vst v63  }
0xb4: {  	_ =	swait.ge [sflag:s0], $0x80  }
0xb5: {  	[sflag:s0] =	ssyncset.done $0x0  }
0xb6: {  	[sflag:s0] =	ssyncadd.s32 $0xFFFFFF80  }
0xb7: {  	_ =	swait.ge [sflag:s6], $0x800  }
0xb8: {  	[sflag:s6] =	ssyncset.done $0x0  }
0xb9: {  	[sflag:s6] =	ssyncadd.s32 $0xFFFFF800  }
0xba: {  	_ =	swait.ge [sflag:s6], $0x800  }
0xbb: {  	[sflag:s6] =	ssyncset.done $0x0  }
0xbc: {  	[sflag:s6] =	ssyncadd.s32 $0xFFFFF800  }
0xbd: {  	_ =	swait.ge [sflag:s6], $0x800  }
0xbe: {  	[sflag:s6] =	ssyncset.done $0x0  }
0xbf: {  	[sflag:s6] =	ssyncadd.s32 $0xFFFFF800  }
0xc0: {  	_ =	swait.ge [sflag:s6], $0x800  }
0xc1: {  	[sflag:s6] =	ssyncset.done $0x0  }
0xc2: {  	[sflag:s6] =	ssyncadd.s32 $0xFFFFF800  }
0xc3: {  	_ =	swait.ge [sflag:s6], $0x800  }
0xc4: {  	[sflag:s6] =	ssyncset.done $0x0  }
0xc5: {  	[sflag:s6] =	ssyncadd.s32 $0xFFFFF800  }
0xc6: {  	[spmem:s3] =	stream.indirect.scatter.add.f32 [tilespmem:s23], [sflag:$0x6], $0x80, s26, s8, $0xb8;
	[tilespmem:$0x1B100] =	vst v63  }
0xc7: {  	_ =	swait.ge [sflag:s24], $0x2800  }
0xc8: {  	[sflag:s24] =	ssyncset.done $0x0  }
0xc9: {  	s20 =	sadd.s32 $0xA0, s17;
	[sflag:s24] =	ssyncadd.s32 $0xFFFFD800  }
0xca: {  	[tilespmem:s23], [sflag:$0x1] =	stream.indirect.gather [hbm4b:s1+s28], $0x80, s20, s28, $0xb8;
	[tilespmem:$0x1B100] =	vst v63  }
0xcb: {  	s12 =	sadd.s32 $0x100, s12;
	s25 =	sadd.s32 $0xB0, s17  }
0xcc: {  	[tilespmem:s29], [sflag:$0x1] =	stream.indirect.gather [hbm4b:s1+s28], $0x80, s25, s28, $0xb8;
	[tilespmem:$0x1B100] =	vst v63  }
0xcd: {  	s14 =	sadd.s32 $0xC0, s17;
	s15 =	sand.u32 $0x7C00, s12  }
0xce: {  	[tilespmem:s31], [sflag:$0x1] =	stream.indirect.gather [hbm4b:s1+s28], $0x80, s14, s28, $0xb8;
	[tilespmem:$0x1B100] =	vst v63  }
0xcf: {  	s25 =	sand.u32 $0x300, s12;
	s14 =	sadd.s32 s16, s15  }
0xd0: {  	s20 =	sadd.s32 $0xD0, s17;
	s14 =	sor.u32 s25, s14  }
0xd1: {  	[tilespmem:s21], [sflag:$0x1] =	stream.indirect.gather [hbm4b:s1+s28], $0x80, s20, s28, $0xb8;
	[tilespmem:$0x1B100] =	vst v63  }
0xd2: {  	s20 =	sadd.s32 $0xE0, s17;
	s14 =	sshrl.u32 s14, $0x3  }
0xd3: {  	[tilespmem:s30], [sflag:$0x1] =	stream.indirect.gather [hbm4b:s1+s28], $0x80, s20, s28, $0xb8;
	[tilespmem:$0x1B100] =	vst v63  }
0xd4: {  	s25 =	sadd.s32 s5, s14  }
0xd5: {  	[tilespmem:s26], [sflag:$0x3] =	stream.linear.gather [hbm4b:s25+s4], $0x80, $0x38;
	[tilespmem:$0x1B100] =	vst v63  }
0xd6: {  	_ =	swait.ge [sflag:s9], $0x80  }
0xd7: {  	[sflag:s9] =	ssyncset.done $0x0  }
0xd8: {  	[sflag:s9] =	ssyncadd.s32 $0xFFFFFF80  }
0xd9: {  	_ =	swait.ge [sflag:s10], $0x800  }
0xda: {  	[sflag:s10] =	ssyncset.done $0x0  }
0xdb: {  	[sflag:s10] =	ssyncadd.s32 $0xFFFFF800  }
0xdc: {  	_ =	swait.ge [sflag:s10], $0x800  }
0xdd: {  	[sflag:s10] =	ssyncset.done $0x0  }
0xde: {  	[sflag:s10] =	ssyncadd.s32 $0xFFFFF800  }
.Ltmp1:
0xdf: {  	_ =	swait.ge [sflag:s10], $0x800;
	(pc) =	sbr.rel @p1 .LBB2_4-.Ltmp1, $4  }
0xe0: {  	[sflag:s10] =	ssyncset.done $0x0  }
0xe1: {  	[sflag:s10] =	ssyncadd.s32 $0xFFFFF800  }
0xe2: {  	_ =	swait.ge [sflag:s10], $0x800  }
0xe3: {  	s18 =	sadd.s32 $0x80, s12;
	s14 =	smov.u32 s19;
	[sflag:s10] =	ssyncset.done $0x0  }
0xe4: {  	[sflag:s10] =	ssyncadd.s32 $0xFFFFF800  }
0xe5: {  	_ =	swait.ge [sflag:s10], $0x800  }
0xe6: {  	[sflag:s10] =	ssyncset.done $0x0  }
0xe7: {  	[sflag:s10] =	ssyncadd.s32 $0xFFFFF800  }
0xe8: {  	[spmem:s3] =	stream.indirect.scatter.add.f32 [tilespmem:s2], [sflag:$0x6], $0x80, s22, s8, $0xb8;
	[tilespmem:$0x1B100] =	vst v63  }
0xe9: {  	_ =	swait.ge [sflag:s24], $0x2800  }
0xea: {  	s7 =	sshra.s32 s13, $0x2;
	[sflag:s24] =	ssyncset.done $0x0  }
0xeb: {  	s13 =	sadd.s32 $0x50, s7;
	[sflag:s24] =	ssyncadd.s32 $0xFFFFD800  }
0xec: {  	[tilespmem:s2], [sflag:$0x2] =	stream.indirect.gather [hbm4b:s1+s28], $0x80, s13, s28, $0xb8;
	[tilespmem:$0x1B100] =	vst v63  }
0xed: {  	s25 =	sadd.s32 $0x60, s7;
	s14 =	rddreg [dreg:$0x4]  }
0xee: {  	[tilespmem:s14], [sflag:$0x2] =	stream.indirect.gather [hbm4b:s1+s28], $0x80, s25, s28, $0xb8;
	[tilespmem:$0x1B100] =	vst v63  }
0xef: {  	s17 =	sadd.s32 $0x70, s7;
	s15 =	rddreg [dreg:$0x5]  }
0xf0: {  	[tilespmem:s15], [sflag:$0x2] =	stream.indirect.gather [hbm4b:s1+s28], $0x80, s17, s28, $0xb8;
	[tilespmem:$0x1B100] =	vst v63  }
0xf1: {  	s15 =	sand.u32 $0x380, s18;
	s17 =	sand.u32 $0x3C00, s12  }
0xf2: {  	s20 =	sadd.s32 $0x80, s7;
	s19 =	rddreg [dreg:$0x6];
	s13 =	sor.u32 s15, s17  }
0xf3: {  	[tilespmem:s19], [sflag:$0x2] =	stream.indirect.gather [hbm4b:s1+s28], $0x80, s20, s28, $0xb8;
	[tilespmem:$0x1B100] =	vst v63  }
0xf4: {  	s13 =	sor.u32 s16, s13  }
0xf5: {  	s25 =	rddreg [dreg:$0x7];
	s14 =	sadd.s32 $0x90, s7;
	s13 =	sshrl.u32 s13, $0x3  }
0xf6: {  	[tilespmem:s25], [sflag:$0x2] =	stream.indirect.gather [hbm4b:s1+s28], $0x80, s14, s28, $0xb8;
	[tilespmem:$0x1B100] =	vst v63  }
0xf7: {  	s13 =	sadd.s32 s5, s13  }
0xf8: {  	[tilespmem:s22], [sflag:$0x4] =	stream.linear.gather [hbm4b:s13+s4], $0x80, $0x38;
	[tilespmem:$0x1B100] =	vst v63  }
0xf9: {  	_ =	swait.ge [sflag:s0], $0x80  }
0xfa: {  	[sflag:s0] =	ssyncset.done $0x0  }
0xfb: {  	[sflag:s0] =	ssyncadd.s32 $0xFFFFFF80  }
0xfc: {  	_ =	swait.ge [sflag:s6], $0x800  }
0xfd: {  	[sflag:s6] =	ssyncset.done $0x0  }
0xfe: {  	[sflag:s6] =	ssyncadd.s32 $0xFFFFF800  }
0xff: {  	_ =	swait.ge [sflag:s6], $0x800  }
0x100: {  	[sflag:s6] =	ssyncset.done $0x0  }
0x101: {  	[sflag:s6] =	ssyncadd.s32 $0xFFFFF800  }
0x102: {  	_ =	swait.ge [sflag:s6], $0x800  }
0x103: {  	[sflag:s6] =	ssyncset.done $0x0  }
0x104: {  	[sflag:s6] =	ssyncadd.s32 $0xFFFFF800  }
0x105: {  	_ =	swait.ge [sflag:s6], $0x800  }
0x106: {  	[sflag:s6] =	ssyncset.done $0x0  }
0x107: {  	[sflag:s6] =	ssyncadd.s32 $0xFFFFF800  }
0x108: {  	_ =	swait.ge [sflag:s6], $0x800  }
0x109: {  	[sflag:s6] =	ssyncset.done $0x0  }
0x10a: {  	[sflag:s6] =	ssyncadd.s32 $0xFFFFF800  }
0x10b: {  	[spmem:s3] =	stream.indirect.scatter.add.f32 [tilespmem:s23], [sflag:$0x6], $0x80, s26, s8, $0xb8;
	[tilespmem:$0x1B100] =	vst v63  }
0x10c: {  	_ =	swait.ge [sflag:s24], $0x2800  }
0x10d: {  	[sflag:s24] =	ssyncset.done $0x0  }
0x10e: {  	s18 =	sadd.s32 $0xA0, s7;
	s25 =	sadd.s32 $0x100, s12;
	[sflag:s24] =	ssyncadd.s32 $0xFFFFD800  }
0x10f: {  	[tilespmem:s23], [sflag:$0x1] =	stream.indirect.gather [hbm4b:s1+s28], $0x80, s18, s28, $0xb8;
	[tilespmem:$0x1B100] =	vst v63  }
0x110: {  	s19 =	sadd.s32 $0xB0, s7;
	s15 =	sand.u32 $0x7C00, s25  }
0x111: {  	[tilespmem:s29], [sflag:$0x1] =	stream.indirect.gather [hbm4b:s1+s28], $0x80, s19, s28, $0xb8;
	[tilespmem:$0x1B100] =	vst v63  }
0x112: {  	s20 =	sadd.s32 $0xC0, s7;
	s12 =	sand.u32 $0x300, s25;
	s13 =	sadd.s32 s16, s15  }
0x113: {  	[tilespmem:s31], [sflag:$0x1] =	stream.indirect.gather [hbm4b:s1+s28], $0x80, s20, s28, $0xb8;
	[tilespmem:$0x1B100] =	vst v63  }
0x114: {  	s14 =	sadd.s32 $0xD0, s7;
	s12 =	sor.u32 s12, s13  }
0x115: {  	[tilespmem:s21], [sflag:$0x1] =	stream.indirect.gather [hbm4b:s1+s28], $0x80, s14, s28, $0xb8;
	[tilespmem:$0x1B100] =	vst v63  }
0x116: {  	s7 =	sadd.s32 $0xE0, s7;
	s12 =	sshrl.u32 s12, $0x3  }
0x117: {  	[tilespmem:s30], [sflag:$0x1] =	stream.indirect.gather [hbm4b:s1+s28], $0x80, s7, s28, $0xb8;
	[tilespmem:$0x1B100] =	vst v63  }
0x118: {  	s17 =	sadd.s32 s5, s12  }
0x119: {  	[tilespmem:s26], [sflag:$0x3] =	stream.linear.gather [hbm4b:s17+s4], $0x80, $0x38;
	[tilespmem:$0x1B100] =	vst v63  }
0x11a: {  	_ =	swait.ge [sflag:s9], $0x80  }
0x11b: {  	[sflag:s9] =	ssyncset.done $0x0  }
0x11c: {  	[sflag:s9] =	ssyncadd.s32 $0xFFFFFF80  }
0x11d: {  	_ =	swait.ge [sflag:s10], $0x800  }
0x11e: {  	[sflag:s10] =	ssyncset.done $0x0  }
0x11f: {  	[sflag:s10] =	ssyncadd.s32 $0xFFFFF800  }
0x120: {  	_ =	swait.ge [sflag:s10], $0x800  }
0x121: {  	[sflag:s10] =	ssyncset.done $0x0  }
0x122: {  	[sflag:s10] =	ssyncadd.s32 $0xFFFFF800  }
0x123: {  	_ =	swait.ge [sflag:s10], $0x800  }
0x124: {  	[sflag:s10] =	ssyncset.done $0x0  }
0x125: {  	[sflag:s10] =	ssyncadd.s32 $0xFFFFF800  }
0x126: {  	_ =	swait.ge [sflag:s10], $0x800  }
0x127: {  	[sflag:s10] =	ssyncset.done $0x0  }
0x128: {  	[sflag:s10] =	ssyncadd.s32 $0xFFFFF800  }
0x129: {  	_ =	swait.ge [sflag:s10], $0x800  }
0x12a: {  	[sflag:s10] =	ssyncset.done $0x0  }
0x12b: {  	[sflag:s10] =	ssyncadd.s32 $0xFFFFF800  }
0x12c: {  	[spmem:s3] =	stream.indirect.scatter.add.f32 [tilespmem:s2], [sflag:$0x6], $0x80, s22, s8, $0xb8;
	[tilespmem:$0x1B100] =	vst v63  }
0x12d: {  	_ =	swait.ge [sflag:s24], $0x2800  }
0x12e: {  	[sflag:s24] =	ssyncset.done $0x0  }
0x12f: {  	[sflag:s24] =	ssyncadd.s32 $0xFFFFD800  }
0x130: {  	_ =	swait.ge [sflag:s0], $0x80  }
0x131: {  	[sflag:s0] =	ssyncset.done $0x0  }
0x132: {  	[sflag:s0] =	ssyncadd.s32 $0xFFFFFF80  }
0x133: {  	_ =	swait.ge [sflag:s6], $0x800  }
0x134: {  	[sflag:s6] =	ssyncset.done $0x0  }
0x135: {  	[sflag:s6] =	ssyncadd.s32 $0xFFFFF800  }
0x136: {  	_ =	swait.ge [sflag:s6], $0x800  }
0x137: {  	[sflag:s6] =	ssyncset.done $0x0  }
0x138: {  	[sflag:s6] =	ssyncadd.s32 $0xFFFFF800  }
0x139: {  	_ =	swait.ge [sflag:s6], $0x800  }
0x13a: {  	[sflag:s6] =	ssyncset.done $0x0  }
0x13b: {  	[sflag:s6] =	ssyncadd.s32 $0xFFFFF800  }
0x13c: {  	_ =	swait.ge [sflag:s6], $0x800  }
0x13d: {  	[sflag:s6] =	ssyncset.done $0x0  }
0x13e: {  	[sflag:s6] =	ssyncadd.s32 $0xFFFFF800  }
0x13f: {  	_ =	swait.ge [sflag:s6], $0x800  }
0x140: {  	[sflag:s6] =	ssyncset.done $0x0  }
0x141: {  	[sflag:s6] =	ssyncadd.s32 $0xFFFFF800  }
0x142: {  	[spmem:s3] =	stream.indirect.scatter.add.f32 [tilespmem:s23], [sflag:$0x6], $0x80, s26, s8, $0xb8;
	[tilespmem:$0x1B100] =	vst v63  }
0x143: {  	_ =	swait.ge [sflag:s24], $0x2800  }
0x144: {  	[sflag:s24] =	ssyncset.done $0x0  }
0x145: {  	[sflag:s24] =	ssyncadd.s32 $0xFFFFD800  }
0x146: {  	s18 =	stileid.u32;
	[bflag:$0x0] =	sbarrier.arrive $0xFFFF  }
0x147: {  	s7 =	sshll.u32 s18, $0x6;
	s14 =	rddreg [dreg:$0x9]  }
0x148: {  	s7 =	sor.u32 $0x1C06, s7;
	s20 =	rddreg [dreg:$0x13];
	s19 =	sshrl.u32 s14, $0x3  }
0x149: {  	[hbm:s20], [sflag:s7] =	dma.local [spmem:s19], $0x2700  }
0x14a: {  	_ =	swait.ge [sflag:s24], $0x2700  }
0x14b: {  	[sflag:s24] =	ssyncset.done $0x0;
	s15 =	rddreg [dreg:$0x11]  }
0x14c: {  	s13 =	rddreg [dreg:$0x14];
	[sflag:s24] =	ssyncadd.s32 $0xFFFFD900;
	s12 =	sshrl.u32 @!p0 s15, $0x3  }
0x14d: {  	[hbm:s13], [sflag:s7] =	dma.local @!p0 [spmem:s12], $0x100  }
0x14e: {  	s7 =	simm.s32 @!p0 $0x6  }
0x14f: {  	_ =	swait.ge @!p0 [sflag:s7], $0x100  }
0x150: {  	s11 =	sadd.s32 $0x1, s11;
	s25 =	rddreg [dreg:$0x15]  }
0x151: {  	p1 =	sne.s32 s11, s25  }
.Ltmp2:
0x152: {  	_ = 	snop;
	(pc) =	sbr.rel @p1 .LBB2_1-.Ltmp2, $3  }
0x153: {  	_ =	sdelay $0x1  }
0x154: {  	[sflag:s7] =	ssyncset.done @!p0 $0x0  }
0x155: {  	[sflag:s7] =	ssyncadd.s32 @!p0 $0xFFFFFF00  }
0x156: {  	_ =	sfence.sel $0x180000  }
0x157: {  	[bflag:$0x0] =	sbarrier.arrive $0xFFFF  }
0x158: {  	_ =	strace $0x9000004A  }
0x159: {  	s0 =	stileid.u32;
	[bflag:$0x2] =	sbarrier.arrive $0xFFFF  }
0x15a: {  	p0 =	sne.s32 s0, $0x0;
	s0 =	rddreg [dreg:$0x3]  }
0x15b: {  	s0 =	sadd.s32 @!p0 $0x100000, s0  }
0x15c: {  	[sflag:s0] =	ssyncadd.tile.s32 @!p0 $0x1;
	_ =	shalt  }
.Lfunc_end2:
_tile_overlayer_lowered:
.L_overlay_start_2:
0x15d: {  	(tag) =	ssettag $0x2  }
0x15e: {  	s0 =	rddreg [dreg:$0x0];
	s2 =	stileid.u32  }
0x15f: {  	s1 =	rddreg [dreg:$0x1];
	p0 =	sne.s32 s2, $0x0  }
0x160: {  	s3 =	rddreg [dreg:$0x2];
	[bflag:$0x3] =	sbarrier.arrive $0xFFFF;
	s2 =	simm.s32 @!p0 $0x1C06  }
0x161: {  	[timem:s3], [sflag:s2] =	dma.local @!p0 [hbm:s0], s1  }
0x162: {  	s0 =	simm.s32 @!p0 $0x6  }
0x163: {  	_ =	swait.ge @!p0 [sflag:s0], s1  }
0x164: {  	s1 =	ssub.s32 @!p0 $0x0, s1;
	[sflag:s0] =	ssyncset.done @!p0 $0x0  }
0x165: {  	[sflag:s0] =	ssyncadd.s32 @!p0 s1  }
0x166: {  	[bflag:$0x3] =	sbarrier.arrive $0xFFFF  }
0x167: {  	_ =	shalt  }

</sc_bundles>
